<compile_context>
chip_gen: v7x
topology: tpu7x:2x2x1
jax: 0.10.2.dev20260603
libtpu: 0.0.44.dev20260713+nightly
codegen_flags: <defaults>
</compile_context>

<pallas_src>
import jax
import jax.numpy as jnp
from jax import lax
from jax.experimental import pallas as pl
from jax.experimental.pallas import tpu as pltpu
from jax.experimental.pallas import tpu_sc as plsc

N = 10000
E = 320000
DIM = 128
H = 8
DH = DIM // H

SC_CORES = 2
SC_SUBCORES = 16
SC_TILES = SC_CORES * SC_SUBCORES
EPT = E // SC_TILES
CHUNK = 80
NCHUNK = EPT // CHUNK
RPT = 624
NREM = N - SC_SUBCORES * RPT
ND = 640
DPT = ND // SC_SUBCORES

BN = 1000
BE = 640


def _mesh():
    return plsc.VectorSubcoreMesh(
        core_axis_name="c", subcore_axis_name="s",
        num_cores=SC_CORES, num_subcores=SC_SUBCORES)


def _params():
    return pltpu.CompilerParams(needs_layout_passes=False)


def _sel():
    r = lax.broadcasted_iota(jnp.int32, (DIM, H), 0)
    c = lax.broadcasted_iota(jnp.int32, (DIM, H), 1)
    return (r // DH == c).astype(jnp.float32)


def _selT():
    r = lax.broadcasted_iota(jnp.int32, (H, DIM), 0)
    c = lax.broadcasted_iota(jnp.int32, (H, DIM), 1)
    return (c // DH == r).astype(jnp.float32)


def _tile8():
    r = lax.broadcasted_iota(jnp.int32, (H, DIM), 0)
    c = lax.broadcasted_iota(jnp.int32, (H, DIM), 1)
    return (c % H == r).astype(jnp.float32)


def _mm(x, w):
    return lax.dot_general(x, w, (((1,), (1,)), ((), ())),
                           preferred_element_type=jnp.float32)


def _mmn(x, w):
    return lax.dot_general(x, w, (((1,), (0,)), ((), ())),
                           preferred_element_type=jnp.float32)


def _node_body(q_ref, wq_ref, wk_ref, wv_ref, bq_ref, bk_ref, bv_ref,
               af_ref, pw_ref, qq_ref, qvw_ref, dq_ref):
    q = q_ref[...]
    qQ = _mm(q, wq_ref[...]) + bq_ref[...]
    qK = _mm(q, wk_ref[...]) + bk_ref[...]
    u = qQ + qK
    pw = pw_ref[0, 0]
    pr = jnp.where(u >= 0, u, pw * u)
    eq = jnp.exp(_mmn(pr * af_ref[...], _sel()))
    qq_ref[...] = qQ
    qV = _mm(q, wv_ref[...]) + bv_ref[...]
    qvw_ref[...] = qV * _mmn(eq, _selT())
    dq_ref[...] = eq


def _tc_node(query, WQ, WK, WV, bQ, bK, bV, aflat, pw):
    full = lambda s: pl.BlockSpec(s, lambda i: (0, 0))
    return pl.pallas_call(
        _node_body,
        grid=(N // BN,),
        in_specs=[
            pl.BlockSpec((BN, DIM), lambda i: (i, 0)),
            full((DIM, DIM)), full((DIM, DIM)), full((DIM, DIM)),
            full((1, DIM)), full((1, DIM)), full((1, DIM)),
            full((1, DIM)), full((1, 1)),
        ],
        out_specs=[
            pl.BlockSpec((BN, DIM), lambda i: (i, 0)),
            pl.BlockSpec((BN, DIM), lambda i: (i, 0)),
            pl.BlockSpec((BN, H), lambda i: (i, 0)),
        ],
        out_shape=[
            jax.ShapeDtypeStruct((N, DIM), jnp.float32),
            jax.ShapeDtypeStruct((N, DIM), jnp.float32),
            jax.ShapeDtypeStruct((N, H), jnp.float32),
        ],
    )(query, WQ, WK, WV, bQ, bK, bV, aflat, pw)


def _sc_gather_body(tab_hbm, idx_hbm, out_hbm, idx_v, buf):
    wid = lax.axis_index("s") * SC_CORES + lax.axis_index("c")
    base = pl.multiple_of(wid * EPT, 8)

    @pl.loop(0, NCHUNK)
    def _(i):
        off = pl.multiple_of(base + i * CHUNK, 8)
        pltpu.sync_copy(idx_hbm.at[pl.ds(off, CHUNK)], idx_v)
        pltpu.sync_copy(tab_hbm.at[idx_v], buf)
        pltpu.sync_copy(buf, out_hbm.at[pl.ds(off, CHUNK)])


def _sc_gather(qQ, query_idx):
    k = pl.kernel(
        _sc_gather_body,
        out_type=jax.ShapeDtypeStruct((E, DIM), jnp.float32),
        mesh=_mesh(),
        compiler_params=_params(),
        scratch_types=[
            pltpu.VMEM((CHUNK,), jnp.int32),
            pltpu.VMEM((CHUNK, DIM), jnp.float32),
        ],
    )
    return k(qQ, query_idx)


def _edge_body(k_ref, v_ref, g_ref, di_ref, wk_ref, wv_ref, bk_ref, bv_ref,
               af_ref, pw_ref, w_ref, d_ref):
    kK = _mm(k_ref[...], wk_ref[...]) + bk_ref[...]
    u = g_ref[...] + kK
    pw = pw_ref[0, 0]
    pr = jnp.where(u >= 0, u, pw * u)
    e = jnp.exp(_mmn(pr * af_ref[...], _sel()))
    vV = _mm(v_ref[...], wv_ref[...]) + bv_ref[...]
    w_ref[...] = vV * _mmn(e, _selT())
    col = lax.broadcasted_iota(jnp.int32, (BE, DIM), 1)
    slot = jnp.bitwise_and(di_ref[...], 15)
    mask = (lax.shift_right_logical(col, 3) == slot)
    d_ref[...] = _mmn(e, _tile8()) * mask.astype(jnp.float32)


def _tc_edge(keys, values, qa, idx2d, WK, WV, bK, bV, aflat, pw):
    full = lambda s: pl.BlockSpec(s, lambda i: (0, 0))
    return pl.pallas_call(
        _edge_body,
        grid=(E // BE,),
        in_specs=[
            pl.BlockSpec((BE, DIM), lambda i: (i, 0)),
            pl.BlockSpec((BE, DIM), lambda i: (i, 0)),
            pl.BlockSpec((BE, DIM), lambda i: (i, 0)),
            pl.BlockSpec((BE, 1), lambda i: (i, 0)),
            full((DIM, DIM)), full((DIM, DIM)),
            full((1, DIM)), full((1, DIM)),
            full((1, DIM)), full((1, 1)),
        ],
        out_specs=[
            pl.BlockSpec((BE, DIM), lambda i: (i, 0)),
            pl.BlockSpec((BE, DIM), lambda i: (i, 0)),
        ],
        out_shape=[
            jax.ShapeDtypeStruct((E, DIM), jnp.float32),
            jax.ShapeDtypeStruct((E, DIM), jnp.float32),
        ],
    )(keys, values, qa, idx2d, WK, WV, bK, bV, aflat, pw)


def _sc_scatter_body(w_hbm, d_hbm, idx_hbm, qvw_hbm, dq_hbm, z_hbm,
                     out0_hbm, out1_hbm, outd0_hbm, outd1_hbm,
                     acc, accd, idx_v, idxd_v, buf, dbuf):
    c = lax.axis_index("c")
    s = lax.axis_index("s")
    wid = c * SC_SUBCORES + s

    rows = pl.ds(pl.multiple_of(s * RPT, 8), RPT)
    rem = pl.ds(N - NREM, NREM)
    drows = pl.ds(pl.multiple_of(s * DPT, 8), DPT)
    last = s == SC_SUBCORES - 1

    @pl.when(c == 0)
    def _():
        pltpu.sync_copy(qvw_hbm.at[rows], acc.at[rows])
        pltpu.sync_copy(dq_hbm.at[drows], accd.at[drows])

    @pl.when(c == 1)
    def _():
        pltpu.sync_copy(z_hbm, acc.at[rows])
        pltpu.sync_copy(z_hbm.at[pl.ds(0, DPT)], accd.at[drows])

    @pl.when(jnp.logical_and(c == 0, last))
    def _():
        pltpu.sync_copy(qvw_hbm.at[rem], acc.at[rem])

    @pl.when(jnp.logical_and(c == 1, last))
    def _():
        pltpu.sync_copy(z_hbm.at[pl.ds(0, NREM)], acc.at[rem])

    plsc.subcore_barrier()

    base = pl.multiple_of(wid * EPT, 8)

    @pl.loop(0, NCHUNK)
    def _(i):
        off = pl.multiple_of(base + i * CHUNK, 8)
        pltpu.sync_copy(idx_hbm.at[pl.ds(off, CHUNK)], idx_v)
        pltpu.sync_copy(w_hbm.at[pl.ds(off, CHUNK)], buf)
        pltpu.sync_copy(d_hbm.at[pl.ds(off, CHUNK)], dbuf)
        for g in range(CHUNK // 16):
            idxd_v[pl.ds(g * 16, 16)] = lax.shift_right_logical(
                idx_v[pl.ds(g * 16, 16)], 4)
        pltpu.sync_copy(buf, acc.at[idx_v], add=True)
        pltpu.sync_copy(dbuf, accd.at[idxd_v], add=True)

    plsc.subcore_barrier()

    @pl.when(c == 0)
    def _():
        pltpu.sync_copy(acc.at[rows], out0_hbm.at[rows])
        pltpu.sync_copy(accd.at[drows], outd0_hbm.at[drows])

    @pl.when(c == 1)
    def _():
        pltpu.sync_copy(acc.at[rows], out1_hbm.at[rows])
        pltpu.sync_copy(accd.at[drows], outd1_hbm.at[drows])

    @pl.when(jnp.logical_and(c == 0, last))
    def _():
        pltpu.sync_copy(acc.at[rem], out0_hbm.at[rem])

    @pl.when(jnp.logical_and(c == 1, last))
    def _():
        pltpu.sync_copy(acc.at[rem], out1_hbm.at[rem])


def _sc_scatter(w128, den128, query_idx, qvw, dq640, zrows):
    k = pl.kernel(
        _sc_scatter_body,
        out_type=(
            jax.ShapeDtypeStruct((N, DIM), jnp.float32),
            jax.ShapeDtypeStruct((N, DIM), jnp.float32),
            jax.ShapeDtypeStruct((ND, DIM), jnp.float32),
            jax.ShapeDtypeStruct((ND, DIM), jnp.float32),
        ),
        mesh=_mesh(),
        compiler_params=_params(),
        scratch_types=[
            pltpu.VMEM_SHARED((N, DIM), jnp.float32),
            pltpu.VMEM_SHARED((ND, DIM), jnp.float32),
            pltpu.VMEM((CHUNK,), jnp.int32),
            pltpu.VMEM((CHUNK,), jnp.int32),
            pltpu.VMEM((CHUNK, DIM), jnp.float32),
            pltpu.VMEM((CHUNK, DIM), jnp.float32),
        ],
    )
    return k(w128, den128, query_idx, qvw, dq640, zrows)


def _finish_body(a0_ref, a1_ref, d0_ref, d1_ref, wp_ref, bp_ref, g_ref, b_ref,
                 o_ref):
    den = _mmn(d0_ref[...] + d1_ref[...], _selT())
    msg = (a0_ref[...] + a1_ref[...]) / den
    o = _mm(msg, wp_ref[...]) + bp_ref[...]
    m = jnp.mean(o, axis=-1, keepdims=True)
    v = jnp.mean((o - m) ** 2, axis=-1, keepdims=True)
    o_ref[...] = (o - m) * lax.rsqrt(v + 1e-5) * g_ref[...] + b_ref[...]


def _tc_finish(acc0, acc1, d0, d1, WP, bP, gamma, beta):
    full = lambda s: pl.BlockSpec(s, lambda i: (0, 0))
    return pl.pallas_call(
        _finish_body,
        grid=(N // BN,),
        in_specs=[
            pl.BlockSpec((BN, DIM), lambda i: (i, 0)),
            pl.BlockSpec((BN, DIM), lambda i: (i, 0)),
            pl.BlockSpec((BN, H), lambda i: (i, 0)),
            pl.BlockSpec((BN, H), lambda i: (i, 0)),
            full((DIM, DIM)), full((1, DIM)), full((1, DIM)), full((1, DIM)),
        ],
        out_specs=pl.BlockSpec((BN, DIM), lambda i: (i, 0)),
        out_shape=jax.ShapeDtypeStruct((N, DIM), jnp.float32),
    )(acc0, acc1, d0, d1, WP, bP, gamma, beta)


def kernel(query, keys, values, query_idx, WQ, bQ, WK, bK, WV, bV, WP, bP,
           a, prelu_w, gamma, beta):
    aflat = a.reshape(1, DIM)
    pw = prelu_w.reshape(1, 1)
    bQ2, bK2, bV2, bP2 = (x.reshape(1, DIM) for x in (bQ, bK, bV, bP))
    g2, b2 = gamma.reshape(1, DIM), beta.reshape(1, DIM)

    qQ, qvw, dq = _tc_node(query, WQ, WK, WV, bQ2, bK2, bV2, aflat, pw)
    qa = _sc_gather(qQ, query_idx)
    w128, den128 = _tc_edge(keys, values, qa, query_idx.reshape(E, 1),
                            WK, WV, bK2, bV2, aflat, pw)
    dq640 = jnp.concatenate(
        [dq.reshape(N * H // DIM, DIM),
         jnp.zeros((ND - N * H // DIM, DIM), jnp.float32)], axis=0)
    zrows = jnp.zeros((RPT, DIM), jnp.float32)
    acc0, acc1, dacc0, dacc1 = _sc_scatter(
        w128, den128, query_idx, qvw, dq640, zrows)
    d0 = dacc0.reshape(ND * SC_SUBCORES, H)[:N]
    d1 = dacc1.reshape(ND * SC_SUBCORES, H)[:N]
    return _tc_finish(acc0, acc1, d0, d1, WP, bP2, g2, b2)

# --- scband reference (transcript-rebuilt; emitter-appended) ---
"""Pipeline reference for scband-anmp-layer-44470091383041 (READ-ONLY COPY).

The authoritative reference and input builder live on the scoring server;
editing this copy changes nothing except your own understanding.
"""

import jax, jax.numpy as jnp
import numpy as np

N = 10000
E = 320000
DIM = 128
H = 8
DH = DIM // H


def prelu(x, w):
    return jnp.where(x >= 0, x, w * x)


def layer_norm(x, g, b, eps=1e-5):
    m = x.mean(-1, keepdims=True)
    v = ((x - m) ** 2).mean(-1, keepdims=True)
    return (x - m) / jnp.sqrt(v + eps) * g + b


def _xavier(k, shape, gain=np.sqrt(2.0)):
    fan_out, fan_in = shape[0], shape[1]
    std = gain * np.sqrt(2.0 / (fan_in + fan_out))
    return jax.random.normal(k, shape, jnp.float32) * std


def setup_inputs(seed: int = 0):
    key = jax.random.key(seed)
    ks = jax.random.split(key, 12)
    query = jax.random.normal(ks[0], (N, DIM), jnp.float32)
    keys = jax.random.normal(ks[1], (E, DIM), jnp.float32)
    values = jax.random.normal(ks[2], (E, DIM), jnp.float32)
    query_idx = jax.random.randint(ks[3], (E,), 0, N, dtype=jnp.int32)
    WQ = _xavier(ks[4], (DIM, DIM)); bQ = jnp.zeros((DIM,), jnp.float32)
    WK = _xavier(ks[5], (DIM, DIM)); bK = jnp.zeros((DIM,), jnp.float32)
    WV = _xavier(ks[6], (DIM, DIM)); bV = jnp.zeros((DIM,), jnp.float32)
    WP = _xavier(ks[7], (DIM, DIM)); bP = jnp.zeros((DIM,), jnp.float32)
    a = _xavier(ks[8], (H, DH)).reshape(1, H, DH)
    prelu_w = jnp.array(0.25, jnp.float32)
    gamma = jnp.ones((DIM,), jnp.float32)
    beta = jnp.zeros((DIM,), jnp.float32)
    return dict(query=query, keys=keys, values=values, query_idx=query_idx,
                WQ=WQ, bQ=bQ, WK=WK, bK=bK, WV=WV, bV=bV, WP=WP, bP=bP,
                a=a, prelu_w=prelu_w, gamma=gamma, beta=beta)


def reference(query, keys, values, query_idx, WQ, bQ, WK, bK, WV, bV, WP, bP, a, prelu_w, gamma, beta):
    # self_attn=True, one relation with query_idxs=[dst], key_idxs/value_idxs=None
    qQ = query @ WQ.T + bQ          # [N, DIM]
    qK = query @ WK.T + bK          # [N, DIM]
    # per-query self attention logits
    attn_qq = (a * prelu(qQ + qK, prelu_w).reshape(N, H, DH)).sum(-1, keepdims=True)  # [N,H,1]
    # per-edge attention logits: branch len(query) < len(query_idx), key_idx None
    kK = keys @ WK.T + bK           # [E, DIM]
    attn_qk = (a * prelu(qQ[query_idx] + kK, prelu_w).reshape(E, H, DH)).sum(-1, keepdims=True)  # [E,H,1]
    # running max (index_reduce amax, detached)
    max_attn = jax.lax.stop_gradient(attn_qq.at[query_idx].max(attn_qk))  # [N,H,1]
    exp_qq = jnp.exp(attn_qq - max_attn)
    exp_per_query = exp_qq
    exp_qk = jnp.exp(attn_qk - max_attn[query_idx])
    exp_per_query = exp_per_query.at[query_idx].add(exp_qk)
    exp_per_query = jnp.where(exp_per_query == 0, 1.0, exp_per_query)
    # messages
    msg = exp_qq * (query @ WV.T + bV).reshape(N, H, DH)
    vV = (values @ WV.T + bV).reshape(E, H, DH)
    msg = msg.at[query_idx].add(exp_qk * vV)
    out = (msg / exp_per_query).reshape(N, DIM)
    out = out @ WP.T + bP
    out = layer_norm(out, gamma, beta)
    return out

if __name__ == "__main__":
    import jax
    _d = setup_inputs()
    print(jax.jit(kernel)(*tuple(_d.values())))

</pallas_src>

<mosaic_0001>
#map = affine_map<(d0, d1) -> (0, 0)>
#map1 = affine_map<(d0, d1) -> (0)>
module attributes {stable_mosaic.version = 14 : i64} {
  func.func @_sc_scatter_body(%arg0: i32, %arg1: i32, %arg2: memref<320000x128xf32, #tpu.memory_space<hbm>>, %arg3: memref<320000x128xf32, #tpu.memory_space<hbm>>, %arg4: memref<320000xi32, #tpu.memory_space<hbm>>, %arg5: memref<10000x128xf32, #tpu.memory_space<hbm>>, %arg6: memref<640x128xf32, #tpu.memory_space<hbm>>, %arg7: memref<624x128xf32, #tpu.memory_space<hbm>>, %arg8: memref<10000x128xf32, #tpu.memory_space<hbm>>, %arg9: memref<10000x128xf32, #tpu.memory_space<hbm>>, %arg10: memref<640x128xf32, #tpu.memory_space<hbm>>, %arg11: memref<640x128xf32, #tpu.memory_space<hbm>>, %arg12: memref<10000x128xf32, #tpu.memory_space<vmem_shared>>, %arg13: memref<640x128xf32, #tpu.memory_space<vmem_shared>>, %arg14: memref<80xi32, #tpu.memory_space<vmem>>, %arg15: memref<80xi32, #tpu.memory_space<vmem>>, %arg16: memref<80x128xf32, #tpu.memory_space<vmem>>, %arg17: memref<80x128xf32, #tpu.memory_space<vmem>>) attributes {dimension_semantics = [#tpu.dimension_semantics<core_parallel>, #tpu.dimension_semantics<subcore_parallel>], iteration_bounds = array<i64: 2, 16>, scalar_prefetch = 0 : i64, scratch_operands = 6 : i64, tpu.core_type = #tpu.core_type<sc_vector_subcore>, window_params = [{transform_indices = #map}, {transform_indices = #map}, {transform_indices = #map1}, {transform_indices = #map}, {transform_indices = #map}, {transform_indices = #map}, {transform_indices = #map}, {transform_indices = #map}, {transform_indices = #map}, {transform_indices = #map}]} {
    %mul3A = arith.constant 16 : i32
    %mul3A_0 = arith.muli %arg0, %mul3A : i32
    %add3A = arith.addi %mul3A_0, %arg1 : i32
    %mul3A_1 = arith.constant 624 : i32
    %mul3A_2 = arith.muli %arg1, %mul3A_1 : i32
    %multiple_of3A = tpu.assume_multiple %mul3A_2, 8 : i32
    %mul3A_3 = arith.constant 40 : i32
    %mul3A_4 = arith.muli %arg1, %mul3A_3 : i32
    %multiple_of3A_5 = tpu.assume_multiple %mul3A_4, 8 : i32
    %eq3A = arith.constant 15 : i32
    %eq3A_6 = arith.cmpi eq, %arg1, %eq3A : i32
    %eq3A_7 = arith.constant 0 : i32
    %eq3A_8 = arith.cmpi eq, %arg0, %eq3A_7 : i32
    %convert_element_type3A = arith.extui %eq3A_8 : i1 to i32
    %cond3A = arith.constant 0 : i32
    %cond3A_9 = arith.cmpi ne, %convert_element_type3A, %cond3A : i32
    scf.if %cond3A_9 {
      "tpu.region"() ({
        %run_scoped3A = tpu.sem_alloc : memref<!tpu.dma_semaphore, #tpu.memory_space<semaphore_mem>>
        %dma_start3A = arith.constant 0 : i32
        %dma_start3A_56 = tpu.memref_slice %arg12[%multiple_of3A, %dma_start3A] : memref<10000x128xf32, #tpu.memory_space<vmem_shared>> -> memref<624x128xf32, #tpu.memory_space<vmem_shared>>
        %dma_start3A_57 = arith.constant 0 : i32
        %dma_start3A_58 = tpu.memref_slice %arg5[%multiple_of3A, %dma_start3A_57] : memref<10000x128xf32, #tpu.memory_space<hbm>> -> memref<624x128xf32, #tpu.memory_space<hbm>>
        tpu.enqueue_dma source(%dma_start3A_58 : memref<624x128xf32, #tpu.memory_space<hbm>>) target(%dma_start3A_56 : memref<624x128xf32, #tpu.memory_space<vmem_shared>>) target_semaphore(%run_scoped3A : memref<!tpu.dma_semaphore, #tpu.memory_space<semaphore_mem>>)
        %dma_wait3A = arith.constant 0 : i32
        %dma_wait3A_59 = tpu.memref_slice %arg12[%multiple_of3A, %dma_wait3A] : memref<10000x128xf32, #tpu.memory_space<vmem_shared>> -> memref<624x128xf32, #tpu.memory_space<vmem_shared>>
        %dma_wait3A_60 = arith.constant 0 : i32
        %dma_wait3A_61 = tpu.memref_slice %arg5[%multiple_of3A, %dma_wait3A_60] : memref<10000x128xf32, #tpu.memory_space<hbm>> -> memref<624x128xf32, #tpu.memory_space<hbm>>
        tpu.wait_dma2 semaphore(%run_scoped3A : memref<!tpu.dma_semaphore, #tpu.memory_space<semaphore_mem>>) src(%dma_wait3A_61 : memref<624x128xf32, #tpu.memory_space<hbm>>) dst(%dma_wait3A_59 : memref<624x128xf32, #tpu.memory_space<vmem_shared>>)
        tpu.yield
      }) : () -> ()
      "tpu.region"() ({
        %run_scoped3A = tpu.sem_alloc : memref<!tpu.dma_semaphore, #tpu.memory_space<semaphore_mem>>
        %dma_start3A = arith.constant 0 : i32
        %dma_start3A_56 = tpu.memref_slice %arg13[%multiple_of3A_5, %dma_start3A] : memref<640x128xf32, #tpu.memory_space<vmem_shared>> -> memref<40x128xf32, #tpu.memory_space<vmem_shared>>
        %dma_start3A_57 = arith.constant 0 : i32
        %dma_start3A_58 = tpu.memref_slice %arg6[%multiple_of3A_5, %dma_start3A_57] : memref<640x128xf32, #tpu.memory_space<hbm>> -> memref<40x128xf32, #tpu.memory_space<hbm>>
        tpu.enqueue_dma source(%dma_start3A_58 : memref<40x128xf32, #tpu.memory_space<hbm>>) target(%dma_start3A_56 : memref<40x128xf32, #tpu.memory_space<vmem_shared>>) target_semaphore(%run_scoped3A : memref<!tpu.dma_semaphore, #tpu.memory_space<semaphore_mem>>)
        %dma_wait3A = arith.constant 0 : i32
        %dma_wait3A_59 = tpu.memref_slice %arg13[%multiple_of3A_5, %dma_wait3A] : memref<640x128xf32, #tpu.memory_space<vmem_shared>> -> memref<40x128xf32, #tpu.memory_space<vmem_shared>>
        %dma_wait3A_60 = arith.constant 0 : i32
        %dma_wait3A_61 = tpu.memref_slice %arg6[%multiple_of3A_5, %dma_wait3A_60] : memref<640x128xf32, #tpu.memory_space<hbm>> -> memref<40x128xf32, #tpu.memory_space<hbm>>
        tpu.wait_dma2 semaphore(%run_scoped3A : memref<!tpu.dma_semaphore, #tpu.memory_space<semaphore_mem>>) src(%dma_wait3A_61 : memref<40x128xf32, #tpu.memory_space<hbm>>) dst(%dma_wait3A_59 : memref<40x128xf32, #tpu.memory_space<vmem_shared>>)
        tpu.yield
      }) : () -> ()
    } else {
    }
    %eq3A_10 = arith.constant 1 : i32
    %eq3A_11 = arith.cmpi eq, %arg0, %eq3A_10 : i32
    %convert_element_type3A_12 = arith.extui %eq3A_11 : i1 to i32
    %cond3A_13 = arith.constant 0 : i32
    %cond3A_14 = arith.cmpi ne, %convert_element_type3A_12, %cond3A_13 : i32
    scf.if %cond3A_14 {
      "tpu.region"() ({
        %run_scoped3A = tpu.sem_alloc : memref<!tpu.dma_semaphore, #tpu.memory_space<semaphore_mem>>
        %dma_start3A = arith.constant 0 : i32
        %dma_start3A_56 = tpu.memref_slice %arg12[%multiple_of3A, %dma_start3A] : memref<10000x128xf32, #tpu.memory_space<vmem_shared>> -> memref<624x128xf32, #tpu.memory_space<vmem_shared>>
        tpu.enqueue_dma source(%arg7 : memref<624x128xf32, #tpu.memory_space<hbm>>) target(%dma_start3A_56 : memref<624x128xf32, #tpu.memory_space<vmem_shared>>) target_semaphore(%run_scoped3A : memref<!tpu.dma_semaphore, #tpu.memory_space<semaphore_mem>>)
        %dma_wait3A = arith.constant 0 : i32
        %dma_wait3A_57 = tpu.memref_slice %arg12[%multiple_of3A, %dma_wait3A] : memref<10000x128xf32, #tpu.memory_space<vmem_shared>> -> memref<624x128xf32, #tpu.memory_space<vmem_shared>>
        tpu.wait_dma2 semaphore(%run_scoped3A : memref<!tpu.dma_semaphore, #tpu.memory_space<semaphore_mem>>) src(%arg7 : memref<624x128xf32, #tpu.memory_space<hbm>>) dst(%dma_wait3A_57 : memref<624x128xf32, #tpu.memory_space<vmem_shared>>)
        tpu.yield
      }) : () -> ()
      "tpu.region"() ({
        %run_scoped3A = tpu.sem_alloc : memref<!tpu.dma_semaphore, #tpu.memory_space<semaphore_mem>>
        %dma_start3A = arith.constant 0 : i32
        %dma_start3A_56 = tpu.memref_slice %arg13[%multiple_of3A_5, %dma_start3A] : memref<640x128xf32, #tpu.memory_space<vmem_shared>> -> memref<40x128xf32, #tpu.memory_space<vmem_shared>>
        %dma_start3A_57 = arith.constant 0 : i32
        %dma_start3A_58 = arith.constant 0 : i32
        %dma_start3A_59 = tpu.memref_slice %arg7[%dma_start3A_57, %dma_start3A_58] : memref<624x128xf32, #tpu.memory_space<hbm>> -> memref<40x128xf32, #tpu.memory_space<hbm>>
        tpu.enqueue_dma source(%dma_start3A_59 : memref<40x128xf32, #tpu.memory_space<hbm>>) target(%dma_start3A_56 : memref<40x128xf32, #tpu.memory_space<vmem_shared>>) target_semaphore(%run_scoped3A : memref<!tpu.dma_semaphore, #tpu.memory_space<semaphore_mem>>)
        %dma_wait3A = arith.constant 0 : i32
        %dma_wait3A_60 = tpu.memref_slice %arg13[%multiple_of3A_5, %dma_wait3A] : memref<640x128xf32, #tpu.memory_space<vmem_shared>> -> memref<40x128xf32, #tpu.memory_space<vmem_shared>>
        %dma_wait3A_61 = arith.constant 0 : i32
        %dma_wait3A_62 = arith.constant 0 : i32
        %dma_wait3A_63 = tpu.memref_slice %arg7[%dma_wait3A_61, %dma_wait3A_62] : memref<624x128xf32, #tpu.memory_space<hbm>> -> memref<40x128xf32, #tpu.memory_space<hbm>>
        tpu.wait_dma2 semaphore(%run_scoped3A : memref<!tpu.dma_semaphore, #tpu.memory_space<semaphore_mem>>) src(%dma_wait3A_63 : memref<40x128xf32, #tpu.memory_space<hbm>>) dst(%dma_wait3A_60 : memref<40x128xf32, #tpu.memory_space<vmem_shared>>)
        tpu.yield
      }) : () -> ()
    } else {
    }
    %eq3A_15 = arith.constant 0 : i32
    %eq3A_16 = arith.cmpi eq, %arg0, %eq3A_15 : i32
    %and3A = arith.andi %eq3A_16, %eq3A_6 : i1
    %convert_element_type3A_17 = arith.extui %and3A : i1 to i32
    %cond3A_18 = arith.constant 0 : i32
    %cond3A_19 = arith.cmpi ne, %convert_element_type3A_17, %cond3A_18 : i32
    scf.if %cond3A_19 {
      "tpu.region"() ({
        %run_scoped3A = tpu.sem_alloc : memref<!tpu.dma_semaphore, #tpu.memory_space<semaphore_mem>>
        %dma_start3A = arith.constant 9984 : i32
        %dma_start3A_56 = arith.constant 0 : i32
        %dma_start3A_57 = tpu.memref_slice %arg12[%dma_start3A, %dma_start3A_56] : memref<10000x128xf32, #tpu.memory_space<vmem_shared>> -> memref<16x128xf32, #tpu.memory_space<vmem_shared>>
        %dma_start3A_58 = arith.constant 9984 : i32
        %dma_start3A_59 = arith.constant 0 : i32
        %dma_start3A_60 = tpu.memref_slice %arg5[%dma_start3A_58, %dma_start3A_59] : memref<10000x128xf32, #tpu.memory_space<hbm>> -> memref<16x128xf32, #tpu.memory_space<hbm>>
        tpu.enqueue_dma source(%dma_start3A_60 : memref<16x128xf32, #tpu.memory_space<hbm>>) target(%dma_start3A_57 : memref<16x128xf32, #tpu.memory_space<vmem_shared>>) target_semaphore(%run_scoped3A : memref<!tpu.dma_semaphore, #tpu.memory_space<semaphore_mem>>)
        %dma_wait3A = arith.constant 9984 : i32
        %dma_wait3A_61 = arith.constant 0 : i32
        %dma_wait3A_62 = tpu.memref_slice %arg12[%dma_wait3A, %dma_wait3A_61] : memref<10000x128xf32, #tpu.memory_space<vmem_shared>> -> memref<16x128xf32, #tpu.memory_space<vmem_shared>>
        %dma_wait3A_63 = arith.constant 9984 : i32
        %dma_wait3A_64 = arith.constant 0 : i32
        %dma_wait3A_65 = tpu.memref_slice %arg5[%dma_wait3A_63, %dma_wait3A_64] : memref<10000x128xf32, #tpu.memory_space<hbm>> -> memref<16x128xf32, #tpu.memory_space<hbm>>
        tpu.wait_dma2 semaphore(%run_scoped3A : memref<!tpu.dma_semaphore, #tpu.memory_space<semaphore_mem>>) src(%dma_wait3A_65 : memref<16x128xf32, #tpu.memory_space<hbm>>) dst(%dma_wait3A_62 : memref<16x128xf32, #tpu.memory_space<vmem_shared>>)
        tpu.yield
      }) : () -> ()
    } else {
    }
    %eq3A_20 = arith.constant 1 : i32
    %eq3A_21 = arith.cmpi eq, %arg0, %eq3A_20 : i32
    %and3A_22 = arith.andi %eq3A_21, %eq3A_6 : i1
    %convert_element_type3A_23 = arith.extui %and3A_22 : i1 to i32
    %cond3A_24 = arith.constant 0 : i32
    %cond3A_25 = arith.cmpi ne, %convert_element_type3A_23, %cond3A_24 : i32
    scf.if %cond3A_25 {
      "tpu.region"() ({
        %run_scoped3A = tpu.sem_alloc : memref<!tpu.dma_semaphore, #tpu.memory_space<semaphore_mem>>
        %dma_start3A = arith.constant 9984 : i32
        %dma_start3A_56 = arith.constant 0 : i32
        %dma_start3A_57 = tpu.memref_slice %arg12[%dma_start3A, %dma_start3A_56] : memref<10000x128xf32, #tpu.memory_space<vmem_shared>> -> memref<16x128xf32, #tpu.memory_space<vmem_shared>>
        %dma_start3A_58 = arith.constant 0 : i32
        %dma_start3A_59 = arith.constant 0 : i32
        %dma_start3A_60 = tpu.memref_slice %arg7[%dma_start3A_58, %dma_start3A_59] : memref<624x128xf32, #tpu.memory_space<hbm>> -> memref<16x128xf32, #tpu.memory_space<hbm>>
        tpu.enqueue_dma source(%dma_start3A_60 : memref<16x128xf32, #tpu.memory_space<hbm>>) target(%dma_start3A_57 : memref<16x128xf32, #tpu.memory_space<vmem_shared>>) target_semaphore(%run_scoped3A : memref<!tpu.dma_semaphore, #tpu.memory_space<semaphore_mem>>)
        %dma_wait3A = arith.constant 9984 : i32
        %dma_wait3A_61 = arith.constant 0 : i32
        %dma_wait3A_62 = tpu.memref_slice %arg12[%dma_wait3A, %dma_wait3A_61] : memref<10000x128xf32, #tpu.memory_space<vmem_shared>> -> memref<16x128xf32, #tpu.memory_space<vmem_shared>>
        %dma_wait3A_63 = arith.constant 0 : i32
        %dma_wait3A_64 = arith.constant 0 : i32
        %dma_wait3A_65 = tpu.memref_slice %arg7[%dma_wait3A_63, %dma_wait3A_64] : memref<624x128xf32, #tpu.memory_space<hbm>> -> memref<16x128xf32, #tpu.memory_space<hbm>>
        tpu.wait_dma2 semaphore(%run_scoped3A : memref<!tpu.dma_semaphore, #tpu.memory_space<semaphore_mem>>) src(%dma_wait3A_65 : memref<16x128xf32, #tpu.memory_space<hbm>>) dst(%dma_wait3A_62 : memref<16x128xf32, #tpu.memory_space<vmem_shared>>)
        tpu.yield
      }) : () -> ()
    } else {
    }
    %barrier3A = arith.constant 0 : index
    tpu.barrier barrier_id(%barrier3A)
    %mul3A_26 = arith.constant 10000 : i32
    %mul3A_27 = arith.muli %add3A, %mul3A_26 : i32
    %multiple_of3A_28 = tpu.assume_multiple %mul3A_27, 8 : i32
    %scan3A = arith.constant 0 : i32
    %scan3A_29 = arith.constant 125 : i32
    %scan3A_30 = arith.addi %scan3A, %scan3A_29 : i32
    %scan3A_31 = arith.constant 1 : i32
    scf.for %scan3A_56 = %scan3A to %scan3A_30 step %scan3A_31  : i32 {
      %mul3A_57 = arith.constant 1 : i32
      %mul3A_58 = arith.muli %scan3A_56, %mul3A_57 : i32
      %add3A_59 = arith.constant 0 : i32
      %add3A_60 = arith.addi %add3A_59, %mul3A_58 : i32
      %mul3A_61 = arith.constant 80 : i32
      %mul3A_62 = arith.muli %add3A_60, %mul3A_61 : i32
      %add3A_63 = arith.addi %multiple_of3A_28, %mul3A_62 : i32
      %multiple_of3A_64 = tpu.assume_multiple %add3A_63, 8 : i32
      "tpu.region"() ({
        %run_scoped3A = tpu.sem_alloc : memref<!tpu.dma_semaphore, #tpu.memory_space<semaphore_mem>>
        %dma_start3A = tpu.memref_slice %arg4[%multiple_of3A_64] : memref<320000xi32, #tpu.memory_space<hbm>> -> memref<80xi32, #tpu.memory_space<hbm>>
        %dma_start3A_97 = tpu.memref_slice %arg4[%multiple_of3A_64] : memref<320000xi32, #tpu.memory_space<hbm>> -> memref<80xi32, #tpu.memory_space<hbm>>
        tpu.enqueue_dma source(%dma_start3A_97 : memref<80xi32, #tpu.memory_space<hbm>>) target(%arg14 : memref<80xi32, #tpu.memory_space<vmem>>) target_semaphore(%run_scoped3A : memref<!tpu.dma_semaphore, #tpu.memory_space<semaphore_mem>>)
        %dma_wait3A = tpu.memref_slice %arg4[%multiple_of3A_64] : memref<320000xi32, #tpu.memory_space<hbm>> -> memref<80xi32, #tpu.memory_space<hbm>>
        %dma_wait3A_98 = tpu.memref_slice %arg4[%multiple_of3A_64] : memref<320000xi32, #tpu.memory_space<hbm>> -> memref<80xi32, #tpu.memory_space<hbm>>
        tpu.wait_dma2 semaphore(%run_scoped3A : memref<!tpu.dma_semaphore, #tpu.memory_space<semaphore_mem>>) src(%dma_wait3A_98 : memref<80xi32, #tpu.memory_space<hbm>>) dst(%arg14 : memref<80xi32, #tpu.memory_space<vmem>>)
        tpu.yield
      }) : () -> ()
      "tpu.region"() ({
        %run_scoped3A = tpu.sem_alloc : memref<!tpu.dma_semaphore, #tpu.memory_space<semaphore_mem>>
        %dma_start3A = arith.constant 0 : i32
        %dma_start3A_97 = tpu.memref_slice %arg2[%multiple_of3A_64, %dma_start3A] : memref<320000x128xf32, #tpu.memory_space<hbm>> -> memref<80x128xf32, #tpu.memory_space<hbm>>
        %dma_start3A_98 = arith.constant 0 : i32
        %dma_start3A_99 = tpu.memref_slice %arg2[%multiple_of3A_64, %dma_start3A_98] : memref<320000x128xf32, #tpu.memory_space<hbm>> -> memref<80x128xf32, #tpu.memory_space<hbm>>
        tpu.enqueue_dma source(%dma_start3A_99 : memref<80x128xf32, #tpu.memory_space<hbm>>) target(%arg16 : memref<80x128xf32, #tpu.memory_space<vmem>>) target_semaphore(%run_scoped3A : memref<!tpu.dma_semaphore, #tpu.memory_space<semaphore_mem>>)
        %dma_wait3A = arith.constant 0 : i32
        %dma_wait3A_100 = tpu.memref_slice %arg2[%multiple_of3A_64, %dma_wait3A] : memref<320000x128xf32, #tpu.memory_space<hbm>> -> memref<80x128xf32, #tpu.memory_space<hbm>>
        %dma_wait3A_101 = arith.constant 0 : i32
        %dma_wait3A_102 = tpu.memref_slice %arg2[%multiple_of3A_64, %dma_wait3A_101] : memref<320000x128xf32, #tpu.memory_space<hbm>> -> memref<80x128xf32, #tpu.memory_space<hbm>>
        tpu.wait_dma2 semaphore(%run_scoped3A : memref<!tpu.dma_semaphore, #tpu.memory_space<semaphore_mem>>) src(%dma_wait3A_102 : memref<80x128xf32, #tpu.memory_space<hbm>>) dst(%arg16 : memref<80x128xf32, #tpu.memory_space<vmem>>)
        tpu.yield
      }) : () -> ()
      "tpu.region"() ({
        %run_scoped3A = tpu.sem_alloc : memref<!tpu.dma_semaphore, #tpu.memory_space<semaphore_mem>>
        %dma_start3A = arith.constant 0 : i32
        %dma_start3A_97 = tpu.memref_slice %arg3[%multiple_of3A_64, %dma_start3A] : memref<320000x128xf32, #tpu.memory_space<hbm>> -> memref<80x128xf32, #tpu.memory_space<hbm>>
        %dma_start3A_98 = arith.constant 0 : i32
        %dma_start3A_99 = tpu.memref_slice %arg3[%multiple_of3A_64, %dma_start3A_98] : memref<320000x128xf32, #tpu.memory_space<hbm>> -> memref<80x128xf32, #tpu.memory_space<hbm>>
        tpu.enqueue_dma source(%dma_start3A_99 : memref<80x128xf32, #tpu.memory_space<hbm>>) target(%arg17 : memref<80x128xf32, #tpu.memory_space<vmem>>) target_semaphore(%run_scoped3A : memref<!tpu.dma_semaphore, #tpu.memory_space<semaphore_mem>>)
        %dma_wait3A = arith.constant 0 : i32
        %dma_wait3A_100 = tpu.memref_slice %arg3[%multiple_of3A_64, %dma_wait3A] : memref<320000x128xf32, #tpu.memory_space<hbm>> -> memref<80x128xf32, #tpu.memory_space<hbm>>
        %dma_wait3A_101 = arith.constant 0 : i32
        %dma_wait3A_102 = tpu.memref_slice %arg3[%multiple_of3A_64, %dma_wait3A_101] : memref<320000x128xf32, #tpu.memory_space<hbm>> -> memref<80x128xf32, #tpu.memory_space<hbm>>
        tpu.wait_dma2 semaphore(%run_scoped3A : memref<!tpu.dma_semaphore, #tpu.memory_space<semaphore_mem>>) src(%dma_wait3A_102 : memref<80x128xf32, #tpu.memory_space<hbm>>) dst(%arg17 : memref<80x128xf32, #tpu.memory_space<vmem>>)
        tpu.yield
      }) : () -> ()
      %get3A = arith.constant 0 : index
      %get3A_65 = tpu.vector_load %arg14[%get3A] {strides = array<i32>} : memref<80xi32, #tpu.memory_space<vmem>>, vector<16xi32>,
      %shift_right_logical3A = arith.constant 4 : i32
      %shift_right_logical3A_66 = vector.broadcast %shift_right_logical3A : i32 to vector<16xi32>
      %shift_right_logical3A_67 = arith.shrui %get3A_65, %shift_right_logical3A_66 : vector<16xi32>
      %swap3A = arith.constant 0 : index
      %swap3A_68 = tpu.vector_load %arg15[%swap3A] {strides = array<i32>} : memref<80xi32, #tpu.memory_space<vmem>>, vector<16xi32>,
      tpu.vector_store %arg15[%swap3A], %shift_right_logical3A_67 {strides = array<i32>} : memref<80xi32, #tpu.memory_space<vmem>>, vector<16xi32>,
      %get3A_69 = arith.constant 16 : index
      %get3A_70 = tpu.vector_load %arg14[%get3A_69] {strides = array<i32>} : memref<80xi32, #tpu.memory_space<vmem>>, vector<16xi32>,
      %shift_right_logical3A_71 = arith.constant 4 : i32
      %shift_right_logical3A_72 = vector.broadcast %shift_right_logical3A_71 : i32 to vector<16xi32>
      %shift_right_logical3A_73 = arith.shrui %get3A_70, %shift_right_logical3A_72 : vector<16xi32>
      %swap3A_74 = arith.constant 16 : index
      %swap3A_75 = tpu.vector_load %arg15[%swap3A_74] {strides = array<i32>} : memref<80xi32, #tpu.memory_space<vmem>>, vector<16xi32>,
      tpu.vector_store %arg15[%swap3A_74], %shift_right_logical3A_73 {strides = array<i32>} : memref<80xi32, #tpu.memory_space<vmem>>, vector<16xi32>,
      %get3A_76 = arith.constant 32 : index
      %get3A_77 = tpu.vector_load %arg14[%get3A_76] {strides = array<i32>} : memref<80xi32, #tpu.memory_space<vmem>>, vector<16xi32>,
      %shift_right_logical3A_78 = arith.constant 4 : i32
      %shift_right_logical3A_79 = vector.broadcast %shift_right_logical3A_78 : i32 to vector<16xi32>
      %shift_right_logical3A_80 = arith.shrui %get3A_77, %shift_right_logical3A_79 : vector<16xi32>
      %swap3A_81 = arith.constant 32 : index
      %swap3A_82 = tpu.vector_load %arg15[%swap3A_81] {strides = array<i32>} : memref<80xi32, #tpu.memory_space<vmem>>, vector<16xi32>,
      tpu.vector_store %arg15[%swap3A_81], %shift_right_logical3A_80 {strides = array<i32>} : memref<80xi32, #tpu.memory_space<vmem>>, vector<16xi32>,
      %get3A_83 = arith.constant 48 : index
      %get3A_84 = tpu.vector_load %arg14[%get3A_83] {strides = array<i32>} : memref<80xi32, #tpu.memory_space<vmem>>, vector<16xi32>,
      %shift_right_logical3A_85 = arith.constant 4 : i32
      %shift_right_logical3A_86 = vector.broadcast %shift_right_logical3A_85 : i32 to vector<16xi32>
      %shift_right_logical3A_87 = arith.shrui %get3A_84, %shift_right_logical3A_86 : vector<16xi32>
      %swap3A_88 = arith.constant 48 : index
      %swap3A_89 = tpu.vector_load %arg15[%swap3A_88] {strides = array<i32>} : memref<80xi32, #tpu.memory_space<vmem>>, vector<16xi32>,
      tpu.vector_store %arg15[%swap3A_88], %shift_right_logical3A_87 {strides = array<i32>} : memref<80xi32, #tpu.memory_space<vmem>>, vector<16xi32>,
      %get3A_90 = arith.constant 64 : index
      %get3A_91 = tpu.vector_load %arg14[%get3A_90] {strides = array<i32>} : memref<80xi32, #tpu.memory_space<vmem>>, vector<16xi32>,
      %shift_right_logical3A_92 = arith.constant 4 : i32
      %shift_right_logical3A_93 = vector.broadcast %shift_right_logical3A_92 : i32 to vector<16xi32>
      %shift_right_logical3A_94 = arith.shrui %get3A_91, %shift_right_logical3A_93 : vector<16xi32>
      %swap3A_95 = arith.constant 64 : index
      %swap3A_96 = tpu.vector_load %arg15[%swap3A_95] {strides = array<i32>} : memref<80xi32, #tpu.memory_space<vmem>>, vector<16xi32>,
      tpu.vector_store %arg15[%swap3A_95], %shift_right_logical3A_94 {strides = array<i32>} : memref<80xi32, #tpu.memory_space<vmem>>, vector<16xi32>,
      "tpu.region"() ({
        %run_scoped3A = tpu.sem_alloc : memref<!tpu.dma_semaphore, #tpu.memory_space<semaphore_mem>>
        %dma_start3A = arith.constant 0 : i32
        %dma_start3A_97 = arith.constant 0 : i32
        %dma_start3A_98 = tpu.memref_slice %arg12[%dma_start3A, %dma_start3A_97] : memref<10000x128xf32, #tpu.memory_space<vmem_shared>> -> memref<10000x128xf32, #tpu.memory_space<vmem_shared>>
        tpu.enqueue_indirect_dma source(%arg16 : memref<80x128xf32, #tpu.memory_space<vmem>>) target(%dma_start3A_98 : memref<10000x128xf32, #tpu.memory_space<vmem_shared>>) offsets(%arg14 : memref<80xi32, #tpu.memory_space<vmem>>) semaphore(%run_scoped3A : memref<!tpu.dma_semaphore, #tpu.memory_space<semaphore_mem>>) {add = true}
        %dma_wait3A = arith.constant 0 : i32
        %dma_wait3A_99 = arith.constant 0 : i32
        %dma_wait3A_100 = tpu.memref_slice %arg12[%dma_wait3A, %dma_wait3A_99] : memref<10000x128xf32, #tpu.memory_space<vmem_shared>> -> memref<10000x128xf32, #tpu.memory_space<vmem_shared>>
        tpu.wait_indirect_dma semaphore(%run_scoped3A : memref<!tpu.dma_semaphore, #tpu.memory_space<semaphore_mem>>) src(%arg16 : memref<80x128xf32, #tpu.memory_space<vmem>>) dst(%dma_wait3A_100 : memref<10000x128xf32, #tpu.memory_space<vmem_shared>>)
        tpu.yield
      }) : () -> ()
      "tpu.region"() ({
        %run_scoped3A = tpu.sem_alloc : memref<!tpu.dma_semaphore, #tpu.memory_space<semaphore_mem>>
        %dma_start3A = arith.constant 0 : i32
        %dma_start3A_97 = arith.constant 0 : i32
        %dma_start3A_98 = tpu.memref_slice %arg13[%dma_start3A, %dma_start3A_97] : memref<640x128xf32, #tpu.memory_space<vmem_shared>> -> memref<640x128xf32, #tpu.memory_space<vmem_shared>>
        tpu.enqueue_indirect_dma source(%arg17 : memref<80x128xf32, #tpu.memory_space<vmem>>) target(%dma_start3A_98 : memref<640x128xf32, #tpu.memory_space<vmem_shared>>) offsets(%arg15 : memref<80xi32, #tpu.memory_space<vmem>>) semaphore(%run_scoped3A : memref<!tpu.dma_semaphore, #tpu.memory_space<semaphore_mem>>) {add = true}
        %dma_wait3A = arith.constant 0 : i32
        %dma_wait3A_99 = arith.constant 0 : i32
        %dma_wait3A_100 = tpu.memref_slice %arg13[%dma_wait3A, %dma_wait3A_99] : memref<640x128xf32, #tpu.memory_space<vmem_shared>> -> memref<640x128xf32, #tpu.memory_space<vmem_shared>>
        tpu.wait_indirect_dma semaphore(%run_scoped3A : memref<!tpu.dma_semaphore, #tpu.memory_space<semaphore_mem>>) src(%arg17 : memref<80x128xf32, #tpu.memory_space<vmem>>) dst(%dma_wait3A_100 : memref<640x128xf32, #tpu.memory_space<vmem_shared>>)
        tpu.yield
      }) : () -> ()
    }
    %scan3A_32 = arith.constant 125 : i32
    %barrier3A_33 = arith.constant 0 : index
    tpu.barrier barrier_id(%barrier3A_33)
    %eq3A_34 = arith.constant 0 : i32
    %eq3A_35 = arith.cmpi eq, %arg0, %eq3A_34 : i32
    %convert_element_type3A_36 = arith.extui %eq3A_35 : i1 to i32
    %cond3A_37 = arith.constant 0 : i32
    %cond3A_38 = arith.cmpi ne, %convert_element_type3A_36, %cond3A_37 : i32
    scf.if %cond3A_38 {
      "tpu.region"() ({
        %run_scoped3A = tpu.sem_alloc : memref<!tpu.dma_semaphore, #tpu.memory_space<semaphore_mem>>
        %dma_start3A = arith.constant 0 : i32
        %dma_start3A_56 = tpu.memref_slice %arg8[%multiple_of3A, %dma_start3A] : memref<10000x128xf32, #tpu.memory_space<hbm>> -> memref<624x128xf32, #tpu.memory_space<hbm>>
        %dma_start3A_57 = arith.constant 0 : i32
        %dma_start3A_58 = tpu.memref_slice %arg12[%multiple_of3A, %dma_start3A_57] : memref<10000x128xf32, #tpu.memory_space<vmem_shared>> -> memref<624x128xf32, #tpu.memory_space<vmem_shared>>
        tpu.enqueue_dma source(%dma_start3A_58 : memref<624x128xf32, #tpu.memory_space<vmem_shared>>) target(%dma_start3A_56 : memref<624x128xf32, #tpu.memory_space<hbm>>) target_semaphore(%run_scoped3A : memref<!tpu.dma_semaphore, #tpu.memory_space<semaphore_mem>>)
        %dma_wait3A = arith.constant 0 : i32
        %dma_wait3A_59 = tpu.memref_slice %arg8[%multiple_of3A, %dma_wait3A] : memref<10000x128xf32, #tpu.memory_space<hbm>> -> memref<624x128xf32, #tpu.memory_space<hbm>>
        %dma_wait3A_60 = arith.constant 0 : i32
        %dma_wait3A_61 = tpu.memref_slice %arg12[%multiple_of3A, %dma_wait3A_60] : memref<10000x128xf32, #tpu.memory_space<vmem_shared>> -> memref<624x128xf32, #tpu.memory_space<vmem_shared>>
        tpu.wait_dma2 semaphore(%run_scoped3A : memref<!tpu.dma_semaphore, #tpu.memory_space<semaphore_mem>>) src(%dma_wait3A_61 : memref<624x128xf32, #tpu.memory_space<vmem_shared>>) dst(%dma_wait3A_59 : memref<624x128xf32, #tpu.memory_space<hbm>>)
        tpu.yield
      }) : () -> ()
      "tpu.region"() ({
        %run_scoped3A = tpu.sem_alloc : memref<!tpu.dma_semaphore, #tpu.memory_space<semaphore_mem>>
        %dma_start3A = arith.constant 0 : i32
        %dma_start3A_56 = tpu.memref_slice %arg10[%multiple_of3A_5, %dma_start3A] : memref<640x128xf32, #tpu.memory_space<hbm>> -> memref<40x128xf32, #tpu.memory_space<hbm>>
        %dma_start3A_57 = arith.constant 0 : i32
        %dma_start3A_58 = tpu.memref_slice %arg13[%multiple_of3A_5, %dma_start3A_57] : memref<640x128xf32, #tpu.memory_space<vmem_shared>> -> memref<40x128xf32, #tpu.memory_space<vmem_shared>>
        tpu.enqueue_dma source(%dma_start3A_58 : memref<40x128xf32, #tpu.memory_space<vmem_shared>>) target(%dma_start3A_56 : memref<40x128xf32, #tpu.memory_space<hbm>>) target_semaphore(%run_scoped3A : memref<!tpu.dma_semaphore, #tpu.memory_space<semaphore_mem>>)
        %dma_wait3A = arith.constant 0 : i32
        %dma_wait3A_59 = tpu.memref_slice %arg10[%multiple_of3A_5, %dma_wait3A] : memref<640x128xf32, #tpu.memory_space<hbm>> -> memref<40x128xf32, #tpu.memory_space<hbm>>
        %dma_wait3A_60 = arith.constant 0 : i32
        %dma_wait3A_61 = tpu.memref_slice %arg13[%multiple_of3A_5, %dma_wait3A_60] : memref<640x128xf32, #tpu.memory_space<vmem_shared>> -> memref<40x128xf32, #tpu.memory_space<vmem_shared>>
        tpu.wait_dma2 semaphore(%run_scoped3A : memref<!tpu.dma_semaphore, #tpu.memory_space<semaphore_mem>>) src(%dma_wait3A_61 : memref<40x128xf32, #tpu.memory_space<vmem_shared>>) dst(%dma_wait3A_59 : memref<40x128xf32, #tpu.memory_space<hbm>>)
        tpu.yield
      }) : () -> ()
    } else {
    }
    %eq3A_39 = arith.constant 1 : i32
    %eq3A_40 = arith.cmpi eq, %arg0, %eq3A_39 : i32
    %convert_element_type3A_41 = arith.extui %eq3A_40 : i1 to i32
    %cond3A_42 = arith.constant 0 : i32
    %cond3A_43 = arith.cmpi ne, %convert_element_type3A_41, %cond3A_42 : i32
    scf.if %cond3A_43 {
      "tpu.region"() ({
        %run_scoped3A = tpu.sem_alloc : memref<!tpu.dma_semaphore, #tpu.memory_space<semaphore_mem>>
        %dma_start3A = arith.constant 0 : i32
        %dma_start3A_56 = tpu.memref_slice %arg9[%multiple_of3A, %dma_start3A] : memref<10000x128xf32, #tpu.memory_space<hbm>> -> memref<624x128xf32, #tpu.memory_space<hbm>>
        %dma_start3A_57 = arith.constant 0 : i32
        %dma_start3A_58 = tpu.memref_slice %arg12[%multiple_of3A, %dma_start3A_57] : memref<10000x128xf32, #tpu.memory_space<vmem_shared>> -> memref<624x128xf32, #tpu.memory_space<vmem_shared>>
        tpu.enqueue_dma source(%dma_start3A_58 : memref<624x128xf32, #tpu.memory_space<vmem_shared>>) target(%dma_start3A_56 : memref<624x128xf32, #tpu.memory_space<hbm>>) target_semaphore(%run_scoped3A : memref<!tpu.dma_semaphore, #tpu.memory_space<semaphore_mem>>)
        %dma_wait3A = arith.constant 0 : i32
        %dma_wait3A_59 = tpu.memref_slice %arg9[%multiple_of3A, %dma_wait3A] : memref<10000x128xf32, #tpu.memory_space<hbm>> -> memref<624x128xf32, #tpu.memory_space<hbm>>
        %dma_wait3A_60 = arith.constant 0 : i32
        %dma_wait3A_61 = tpu.memref_slice %arg12[%multiple_of3A, %dma_wait3A_60] : memref<10000x128xf32, #tpu.memory_space<vmem_shared>> -> memref<624x128xf32, #tpu.memory_space<vmem_shared>>
        tpu.wait_dma2 semaphore(%run_scoped3A : memref<!tpu.dma_semaphore, #tpu.memory_space<semaphore_mem>>) src(%dma_wait3A_61 : memref<624x128xf32, #tpu.memory_space<vmem_shared>>) dst(%dma_wait3A_59 : memref<624x128xf32, #tpu.memory_space<hbm>>)
        tpu.yield
      }) : () -> ()
      "tpu.region"() ({
        %run_scoped3A = tpu.sem_alloc : memref<!tpu.dma_semaphore, #tpu.memory_space<semaphore_mem>>
        %dma_start3A = arith.constant 0 : i32
        %dma_start3A_56 = tpu.memref_slice %arg11[%multiple_of3A_5, %dma_start3A] : memref<640x128xf32, #tpu.memory_space<hbm>> -> memref<40x128xf32, #tpu.memory_space<hbm>>
        %dma_start3A_57 = arith.constant 0 : i32
        %dma_start3A_58 = tpu.memref_slice %arg13[%multiple_of3A_5, %dma_start3A_57] : memref<640x128xf32, #tpu.memory_space<vmem_shared>> -> memref<40x128xf32, #tpu.memory_space<vmem_shared>>
        tpu.enqueue_dma source(%dma_start3A_58 : memref<40x128xf32, #tpu.memory_space<vmem_shared>>) target(%dma_start3A_56 : memref<40x128xf32, #tpu.memory_space<hbm>>) target_semaphore(%run_scoped3A : memref<!tpu.dma_semaphore, #tpu.memory_space<semaphore_mem>>)
        %dma_wait3A = arith.constant 0 : i32
        %dma_wait3A_59 = tpu.memref_slice %arg11[%multiple_of3A_5, %dma_wait3A] : memref<640x128xf32, #tpu.memory_space<hbm>> -> memref<40x128xf32, #tpu.memory_space<hbm>>
        %dma_wait3A_60 = arith.constant 0 : i32
        %dma_wait3A_61 = tpu.memref_slice %arg13[%multiple_of3A_5, %dma_wait3A_60] : memref<640x128xf32, #tpu.memory_space<vmem_shared>> -> memref<40x128xf32, #tpu.memory_space<vmem_shared>>
        tpu.wait_dma2 semaphore(%run_scoped3A : memref<!tpu.dma_semaphore, #tpu.memory_space<semaphore_mem>>) src(%dma_wait3A_61 : memref<40x128xf32, #tpu.memory_space<vmem_shared>>) dst(%dma_wait3A_59 : memref<40x128xf32, #tpu.memory_space<hbm>>)
        tpu.yield
      }) : () -> ()
    } else {
    }
    %eq3A_44 = arith.constant 0 : i32
    %eq3A_45 = arith.cmpi eq, %arg0, %eq3A_44 : i32
    %and3A_46 = arith.andi %eq3A_45, %eq3A_6 : i1
    %convert_element_type3A_47 = arith.extui %and3A_46 : i1 to i32
    %cond3A_48 = arith.constant 0 : i32
    %cond3A_49 = arith.cmpi ne, %convert_element_type3A_47, %cond3A_48 : i32
    scf.if %cond3A_49 {
      "tpu.region"() ({
        %run_scoped3A = tpu.sem_alloc : memref<!tpu.dma_semaphore, #tpu.memory_space<semaphore_mem>>
        %dma_start3A = arith.constant 9984 : i32
        %dma_start3A_56 = arith.constant 0 : i32
        %dma_start3A_57 = tpu.memref_slice %arg8[%dma_start3A, %dma_start3A_56] : memref<10000x128xf32, #tpu.memory_space<hbm>> -> memref<16x128xf32, #tpu.memory_space<hbm>>
        %dma_start3A_58 = arith.constant 9984 : i32
        %dma_start3A_59 = arith.constant 0 : i32
        %dma_start3A_60 = tpu.memref_slice %arg12[%dma_start3A_58, %dma_start3A_59] : memref<10000x128xf32, #tpu.memory_space<vmem_shared>> -> memref<16x128xf32, #tpu.memory_space<vmem_shared>>
        tpu.enqueue_dma source(%dma_start3A_60 : memref<16x128xf32, #tpu.memory_space<vmem_shared>>) target(%dma_start3A_57 : memref<16x128xf32, #tpu.memory_space<hbm>>) target_semaphore(%run_scoped3A : memref<!tpu.dma_semaphore, #tpu.memory_space<semaphore_mem>>)
        %dma_wait3A = arith.constant 9984 : i32
        %dma_wait3A_61 = arith.constant 0 : i32
        %dma_wait3A_62 = tpu.memref_slice %arg8[%dma_wait3A, %dma_wait3A_61] : memref<10000x128xf32, #tpu.memory_space<hbm>> -> memref<16x128xf32, #tpu.memory_space<hbm>>
        %dma_wait3A_63 = arith.constant 9984 : i32
        %dma_wait3A_64 = arith.constant 0 : i32
        %dma_wait3A_65 = tpu.memref_slice %arg12[%dma_wait3A_63, %dma_wait3A_64] : memref<10000x128xf32, #tpu.memory_space<vmem_shared>> -> memref<16x128xf32, #tpu.memory_space<vmem_shared>>
        tpu.wait_dma2 semaphore(%run_scoped3A : memref<!tpu.dma_semaphore, #tpu.memory_space<semaphore_mem>>) src(%dma_wait3A_65 : memref<16x128xf32, #tpu.memory_space<vmem_shared>>) dst(%dma_wait3A_62 : memref<16x128xf32, #tpu.memory_space<hbm>>)
        tpu.yield
      }) : () -> ()
    } else {
    }
    %eq3A_50 = arith.constant 1 : i32
    %eq3A_51 = arith.cmpi eq, %arg0, %eq3A_50 : i32
    %and3A_52 = arith.andi %eq3A_51, %eq3A_6 : i1
    %convert_element_type3A_53 = arith.extui %and3A_52 : i1 to i32
    %cond3A_54 = arith.constant 0 : i32
    %cond3A_55 = arith.cmpi ne, %convert_element_type3A_53, %cond3A_54 : i32
    scf.if %cond3A_55 {
      "tpu.region"() ({
        %run_scoped3A = tpu.sem_alloc : memref<!tpu.dma_semaphore, #tpu.memory_space<semaphore_mem>>
        %dma_start3A = arith.constant 9984 : i32
        %dma_start3A_56 = arith.constant 0 : i32
        %dma_start3A_57 = tpu.memref_slice %arg9[%dma_start3A, %dma_start3A_56] : memref<10000x128xf32, #tpu.memory_space<hbm>> -> memref<16x128xf32, #tpu.memory_space<hbm>>
        %dma_start3A_58 = arith.constant 9984 : i32
        %dma_start3A_59 = arith.constant 0 : i32
        %dma_start3A_60 = tpu.memref_slice %arg12[%dma_start3A_58, %dma_start3A_59] : memref<10000x128xf32, #tpu.memory_space<vmem_shared>> -> memref<16x128xf32, #tpu.memory_space<vmem_shared>>
        tpu.enqueue_dma source(%dma_start3A_60 : memref<16x128xf32, #tpu.memory_space<vmem_shared>>) target(%dma_start3A_57 : memref<16x128xf32, #tpu.memory_space<hbm>>) target_semaphore(%run_scoped3A : memref<!tpu.dma_semaphore, #tpu.memory_space<semaphore_mem>>)
        %dma_wait3A = arith.constant 9984 : i32
        %dma_wait3A_61 = arith.constant 0 : i32
        %dma_wait3A_62 = tpu.memref_slice %arg9[%dma_wait3A, %dma_wait3A_61] : memref<10000x128xf32, #tpu.memory_space<hbm>> -> memref<16x128xf32, #tpu.memory_space<hbm>>
        %dma_wait3A_63 = arith.constant 9984 : i32
        %dma_wait3A_64 = arith.constant 0 : i32
        %dma_wait3A_65 = tpu.memref_slice %arg12[%dma_wait3A_63, %dma_wait3A_64] : memref<10000x128xf32, #tpu.memory_space<vmem_shared>> -> memref<16x128xf32, #tpu.memory_space<vmem_shared>>
        tpu.wait_dma2 semaphore(%run_scoped3A : memref<!tpu.dma_semaphore, #tpu.memory_space<semaphore_mem>>) src(%dma_wait3A_65 : memref<16x128xf32, #tpu.memory_space<vmem_shared>>) dst(%dma_wait3A_62 : memref<16x128xf32, #tpu.memory_space<hbm>>)
        tpu.yield
      }) : () -> ()
    } else {
    }
    return
  }
}

#map = affine_map<(d0, d1) -> (0, 0)>
#map1 = affine_map<(d0, d1) -> (0)>
module attributes {stable_mosaic.version = 14 : i64} {
  func.func @_sc_gather_body(%arg0: i32, %arg1: i32, %arg2: memref<10000x128xf32, #tpu.memory_space<hbm>>, %arg3: memref<320000xi32, #tpu.memory_space<hbm>>, %arg4: memref<320000x128xf32, #tpu.memory_space<hbm>>, %arg5: memref<80xi32, #tpu.memory_space<vmem>>, %arg6: memref<80x128xf32, #tpu.memory_space<vmem>>) attributes {dimension_semantics = [#tpu.dimension_semantics<core_parallel>, #tpu.dimension_semantics<subcore_parallel>], iteration_bounds = array<i64: 2, 16>, scalar_prefetch = 0 : i64, scratch_operands = 2 : i64, tpu.core_type = #tpu.core_type<sc_vector_subcore>, window_params = [{transform_indices = #map}, {transform_indices = #map1}, {transform_indices = #map}]} {
    %mul3A = arith.constant 2 : i32
    %mul3A_0 = arith.muli %arg1, %mul3A : i32
    %add3A = arith.addi %mul3A_0, %arg0 : i32
    %mul3A_1 = arith.constant 10000 : i32
    %mul3A_2 = arith.muli %add3A, %mul3A_1 : i32
    %multiple_of3A = tpu.assume_multiple %mul3A_2, 8 : i32
    %scan3A = arith.constant 0 : i32
    %scan3A_3 = arith.constant 125 : i32
    %scan3A_4 = arith.addi %scan3A, %scan3A_3 : i32
    %scan3A_5 = arith.constant 1 : i32
    scf.for %scan3A_7 = %scan3A to %scan3A_4 step %scan3A_5  : i32 {
      %mul3A_8 = arith.constant 1 : i32
      %mul3A_9 = arith.muli %scan3A_7, %mul3A_8 : i32
      %add3A_10 = arith.constant 0 : i32
      %add3A_11 = arith.addi %add3A_10, %mul3A_9 : i32
      %mul3A_12 = arith.constant 80 : i32
      %mul3A_13 = arith.muli %add3A_11, %mul3A_12 : i32
      %add3A_14 = arith.addi %multiple_of3A, %mul3A_13 : i32
      %multiple_of3A_15 = tpu.assume_multiple %add3A_14, 8 : i32
      "tpu.region"() ({
        %run_scoped3A = tpu.sem_alloc : memref<!tpu.dma_semaphore, #tpu.memory_space<semaphore_mem>>
        %dma_start3A = tpu.memref_slice %arg3[%multiple_of3A_15] : memref<320000xi32, #tpu.memory_space<hbm>> -> memref<80xi32, #tpu.memory_space<hbm>>
        %dma_start3A_16 = tpu.memref_slice %arg3[%multiple_of3A_15] : memref<320000xi32, #tpu.memory_space<hbm>> -> memref<80xi32, #tpu.memory_space<hbm>>
        tpu.enqueue_dma source(%dma_start3A_16 : memref<80xi32, #tpu.memory_space<hbm>>) target(%arg5 : memref<80xi32, #tpu.memory_space<vmem>>) target_semaphore(%run_scoped3A : memref<!tpu.dma_semaphore, #tpu.memory_space<semaphore_mem>>)
        %dma_wait3A = tpu.memref_slice %arg3[%multiple_of3A_15] : memref<320000xi32, #tpu.memory_space<hbm>> -> memref<80xi32, #tpu.memory_space<hbm>>
        %dma_wait3A_17 = tpu.memref_slice %arg3[%multiple_of3A_15] : memref<320000xi32, #tpu.memory_space<hbm>> -> memref<80xi32, #tpu.memory_space<hbm>>
        tpu.wait_dma2 semaphore(%run_scoped3A : memref<!tpu.dma_semaphore, #tpu.memory_space<semaphore_mem>>) src(%dma_wait3A_17 : memref<80xi32, #tpu.memory_space<hbm>>) dst(%arg5 : memref<80xi32, #tpu.memory_space<vmem>>)
        tpu.yield
      }) : () -> ()
      "tpu.region"() ({
        %run_scoped3A = tpu.sem_alloc : memref<!tpu.dma_semaphore, #tpu.memory_space<semaphore_mem>>
        %dma_start3A = arith.constant 0 : i32
        %dma_start3A_16 = arith.constant 0 : i32
        %dma_start3A_17 = tpu.memref_slice %arg2[%dma_start3A, %dma_start3A_16] : memref<10000x128xf32, #tpu.memory_space<hbm>> -> memref<10000x128xf32, #tpu.memory_space<hbm>>
        tpu.enqueue_indirect_dma source(%dma_start3A_17 : memref<10000x128xf32, #tpu.memory_space<hbm>>) target(%arg6 : memref<80x128xf32, #tpu.memory_space<vmem>>) offsets(%arg5 : memref<80xi32, #tpu.memory_space<vmem>>) semaphore(%run_scoped3A : memref<!tpu.dma_semaphore, #tpu.memory_space<semaphore_mem>>)
        %dma_wait3A = arith.constant 0 : i32
        %dma_wait3A_18 = arith.constant 0 : i32
        %dma_wait3A_19 = tpu.memref_slice %arg2[%dma_wait3A, %dma_wait3A_18] : memref<10000x128xf32, #tpu.memory_space<hbm>> -> memref<10000x128xf32, #tpu.memory_space<hbm>>
        tpu.wait_indirect_dma semaphore(%run_scoped3A : memref<!tpu.dma_semaphore, #tpu.memory_space<semaphore_mem>>) src(%dma_wait3A_19 : memref<10000x128xf32, #tpu.memory_space<hbm>>) dst(%arg6 : memref<80x128xf32, #tpu.memory_space<vmem>>)
        tpu.yield
      }) : () -> ()
      "tpu.region"() ({
        %run_scoped3A = tpu.sem_alloc : memref<!tpu.dma_semaphore, #tpu.memory_space<semaphore_mem>>
        %dma_start3A = arith.constant 0 : i32
        %dma_start3A_16 = tpu.memref_slice %arg4[%multiple_of3A_15, %dma_start3A] : memref<320000x128xf32, #tpu.memory_space<hbm>> -> memref<80x128xf32, #tpu.memory_space<hbm>>
        %dma_start3A_17 = arith.constant 0 : i32
        %dma_start3A_18 = tpu.memref_slice %arg4[%multiple_of3A_15, %dma_start3A_17] : memref<320000x128xf32, #tpu.memory_space<hbm>> -> memref<80x128xf32, #tpu.memory_space<hbm>>
        tpu.enqueue_dma source(%arg6 : memref<80x128xf32, #tpu.memory_space<vmem>>) target(%dma_start3A_18 : memref<80x128xf32, #tpu.memory_space<hbm>>) target_semaphore(%run_scoped3A : memref<!tpu.dma_semaphore, #tpu.memory_space<semaphore_mem>>)
        %dma_wait3A = arith.constant 0 : i32
        %dma_wait3A_19 = tpu.memref_slice %arg4[%multiple_of3A_15, %dma_wait3A] : memref<320000x128xf32, #tpu.memory_space<hbm>> -> memref<80x128xf32, #tpu.memory_space<hbm>>
        %dma_wait3A_20 = arith.constant 0 : i32
        %dma_wait3A_21 = tpu.memref_slice %arg4[%multiple_of3A_15, %dma_wait3A_20] : memref<320000x128xf32, #tpu.memory_space<hbm>> -> memref<80x128xf32, #tpu.memory_space<hbm>>
        tpu.wait_dma2 semaphore(%run_scoped3A : memref<!tpu.dma_semaphore, #tpu.memory_space<semaphore_mem>>) src(%arg6 : memref<80x128xf32, #tpu.memory_space<vmem>>) dst(%dma_wait3A_21 : memref<80x128xf32, #tpu.memory_space<hbm>>)
        tpu.yield
      }) : () -> ()
    }
    %scan3A_6 = arith.constant 125 : i32
    return
  }
}

module attributes {stable_mosaic.version = 14 : i64} {
  func.func @_node_body(%arg0: i32, %arg1: memref<1000x128xf32, #tpu.memory_space<vmem>>, %arg2: memref<128x128xf32, #tpu.memory_space<vmem>>, %arg3: memref<128x128xf32, #tpu.memory_space<vmem>>, %arg4: memref<128x128xf32, #tpu.memory_space<vmem>>, %arg5: memref<1x128xf32, #tpu.memory_space<vmem>>, %arg6: memref<1x128xf32, #tpu.memory_space<vmem>>, %arg7: memref<1x128xf32, #tpu.memory_space<vmem>>, %arg8: memref<1x128xf32, #tpu.memory_space<vmem>>, %arg9: memref<1x1xf32, #tpu.memory_space<vmem>>, %arg10: memref<1000x128xf32, #tpu.memory_space<vmem>>, %arg11: memref<1000x128xf32, #tpu.memory_space<vmem>>, %arg12: memref<1000x8xf32, #tpu.memory_space<vmem>>) attributes {dimension_semantics = [#tpu.dimension_semantics<arbitrary>], iteration_bounds = array<i64: 10>, scalar_prefetch = 0 : i64, scratch_operands = 0 : i64, tpu.core_type = #tpu.core_type<tc>, window_params = [{transform_indices = @transform_0, window_bounds = array<i64: 1000, 128>}, {pipeline_mode = #tpu.pipeline_mode<synchronous>, transform_indices = @transform_1, window_bounds = array<i64: 128, 128>}, {pipeline_mode = #tpu.pipeline_mode<synchronous>, transform_indices = @transform_2, window_bounds = array<i64: 128, 128>}, {pipeline_mode = #tpu.pipeline_mode<synchronous>, transform_indices = @transform_3, window_bounds = array<i64: 128, 128>}, {pipeline_mode = #tpu.pipeline_mode<synchronous>, transform_indices = @transform_4, window_bounds = array<i64: 1, 128>}, {pipeline_mode = #tpu.pipeline_mode<synchronous>, transform_indices = @transform_5, window_bounds = array<i64: 1, 128>}, {pipeline_mode = #tpu.pipeline_mode<synchronous>, transform_indices = @transform_6, window_bounds = array<i64: 1, 128>}, {pipeline_mode = #tpu.pipeline_mode<synchronous>, transform_indices = @transform_7, window_bounds = array<i64: 1, 128>}, {pipeline_mode = #tpu.pipeline_mode<synchronous>, transform_indices = @transform_8, window_bounds = array<i64: 1, 1>}, {transform_indices = @transform_9, window_bounds = array<i64: 1000, 128>}, {transform_indices = @transform_10, window_bounds = array<i64: 1000, 128>}, {transform_indices = @transform_11, window_bounds = array<i64: 1000, 8>}]} {
    %get3A = arith.constant 0 : index
    %get3A_0 = arith.constant 0 : index
    %get3A_1 = vector.load %arg1[%get3A, %get3A_0] : memref<1000x128xf32, #tpu.memory_space<vmem>>, vector<1000x128xf32>
    %get3A_2 = arith.constant 0 : index
    %get3A_3 = arith.constant 0 : index
    %get3A_4 = vector.load %arg2[%get3A_2, %get3A_3] : memref<128x128xf32, #tpu.memory_space<vmem>>, vector<128x128xf32>
    %dot_general3A = arith.constant dense<0.000000e+00> : vector<1000x128xf32>
    %dot_general3A_5 = tpu.matmul %get3A_1, %get3A_4, %dot_general3A {dimension_numbers = #tpu.dot_dimension_numbers<[1], [1], [0], [0], [0, 0, 1, 0], [], []>, transpose_lhs_hint = false} : vector<1000x128xf32>, vector<128x128xf32>, vector<1000x128xf32> -> vector<1000x128xf32>
    %get3A_6 = arith.constant 0 : index
    %get3A_7 = arith.constant 0 : index
    %get3A_8 = vector.load %arg5[%get3A_6, %get3A_7] : memref<1x128xf32, #tpu.memory_space<vmem>>, vector<1x128xf32>
    %add3A = vector.broadcast %get3A_8 : vector<1x128xf32> to vector<1000x128xf32>
    %add3A_9 = arith.addf %dot_general3A_5, %add3A : vector<1000x128xf32>
    %get3A_10 = arith.constant 0 : index
    %get3A_11 = arith.constant 0 : index
    %get3A_12 = vector.load %arg3[%get3A_10, %get3A_11] : memref<128x128xf32, #tpu.memory_space<vmem>>, vector<128x128xf32>
    %dot_general3A_13 = arith.constant dense<0.000000e+00> : vector<1000x128xf32>
    %dot_general3A_14 = tpu.matmul %get3A_1, %get3A_12, %dot_general3A_13 {dimension_numbers = #tpu.dot_dimension_numbers<[1], [1], [0], [0], [0, 0, 1, 0], [], []>, transpose_lhs_hint = false} : vector<1000x128xf32>, vector<128x128xf32>, vector<1000x128xf32> -> vector<1000x128xf32>
    %get3A_15 = arith.constant 0 : index
    %get3A_16 = arith.constant 0 : index
    %get3A_17 = vector.load %arg6[%get3A_15, %get3A_16] : memref<1x128xf32, #tpu.memory_space<vmem>>, vector<1x128xf32>
    %add3A_18 = vector.broadcast %get3A_17 : vector<1x128xf32> to vector<1000x128xf32>
    %add3A_19 = arith.addf %dot_general3A_14, %add3A_18 : vector<1000x128xf32>
    %add3A_20 = arith.addf %add3A_9, %add3A_19 : vector<1000x128xf32>
    %get3A_21 = arith.constant 0 : index
    %get3A_22 = arith.constant 0 : index
    %get3A_23 = vector.load %arg9[%get3A_21, %get3A_22] : memref<1x1xf32, #tpu.memory_space<vmem>>, vector<1x1xf32>
    %get3A_24 = vector.extract %get3A_23[0, 0] : f32 from vector<1x1xf32>
    %ge3A = arith.constant 0.000000e+00 : f32
    %ge3A_25 = vector.broadcast %ge3A : f32 to vector<1000x128xf32>
    %ge3A_26 = arith.cmpf oge, %add3A_20, %ge3A_25 : vector<1000x128xf32>
    %mul3A = vector.broadcast %get3A_24 : f32 to vector<1000x128xf32>
    %mul3A_27 = arith.mulf %mul3A, %add3A_20 : vector<1000x128xf32>
    %select_n3A = arith.select %ge3A_26, %add3A_20, %mul3A_27 : vector<1000x128xi1>, vector<1000x128xf32>
    %get3A_28 = arith.constant 0 : index
    %get3A_29 = arith.constant 0 : index
    %get3A_30 = vector.load %arg8[%get3A_28, %get3A_29] : memref<1x128xf32, #tpu.memory_space<vmem>>, vector<1x128xf32>
    %mul3A_31 = vector.broadcast %get3A_30 : vector<1x128xf32> to vector<1000x128xf32>
    %mul3A_32 = arith.mulf %select_n3A, %mul3A_31 : vector<1000x128xf32>
    %iota3A = tpu.iota {dimensions = array<i32: 0>} : vector<128x8xi32>
    %iota3A_33 = tpu.iota {dimensions = array<i32: 1>} : vector<128x8xi32>
    %jit3A = arith.constant 16 : i32
    %div3A = vector.broadcast %jit3A : i32 to vector<128x8xi32>
    %div3A_34 = arith.divsi %iota3A, %div3A : vector<128x8xi32>
    %sign3A = arith.constant 0 : i32
    %sign3A_35 = vector.broadcast %sign3A : i32 to vector<128x8xi32>
    %sign3A_36 = arith.cmpi sgt, %iota3A, %sign3A_35 : vector<128x8xi32>
    %sign3A_37 = arith.extui %sign3A_36 : vector<128x8xi1> to vector<128x8xi32>
    %sign3A_38 = arith.constant 0 : i32
    %sign3A_39 = vector.broadcast %sign3A_38 : i32 to vector<128x8xi32>
    %sign3A_40 = arith.cmpi slt, %iota3A, %sign3A_39 : vector<128x8xi32>
    %sign3A_41 = arith.extui %sign3A_40 : vector<128x8xi1> to vector<128x8xi32>
    %sign3A_42 = arith.subi %sign3A_37, %sign3A_41 : vector<128x8xi32>
    %sign3A_43 = arith.constant 0 : i32
    %sign3A_44 = arith.cmpi sgt, %jit3A, %sign3A_43 : i32
    %sign3A_45 = arith.extui %sign3A_44 : i1 to i32
    %sign3A_46 = arith.constant 0 : i32
    %sign3A_47 = arith.cmpi slt, %jit3A, %sign3A_46 : i32
    %sign3A_48 = arith.extui %sign3A_47 : i1 to i32
    %sign3A_49 = arith.subi %sign3A_45, %sign3A_48 : i32
    %ne3A = vector.broadcast %sign3A_49 : i32 to vector<128x8xi32>
    %ne3A_50 = arith.cmpi ne, %sign3A_42, %ne3A : vector<128x8xi32>
    %rem3A = vector.broadcast %jit3A : i32 to vector<128x8xi32>
    %rem3A_51 = arith.remsi %iota3A, %rem3A : vector<128x8xi32>
    %ne3A_52 = arith.constant 0 : i32
    %ne3A_53 = vector.broadcast %ne3A_52 : i32 to vector<128x8xi32>
    %ne3A_54 = arith.cmpi ne, %rem3A_51, %ne3A_53 : vector<128x8xi32>
    %and3A = arith.andi %ne3A_50, %ne3A_54 : vector<128x8xi1>
    %sub3A = arith.constant 1 : i32
    %sub3A_55 = vector.broadcast %sub3A : i32 to vector<128x8xi32>
    %sub3A_56 = arith.subi %div3A_34, %sub3A_55 : vector<128x8xi32>
    %select_n3A_57 = arith.select %and3A, %sub3A_56, %div3A_34 : vector<128x8xi1>, vector<128x8xi32>
    %eq3A = arith.cmpi eq, %select_n3A_57, %iota3A_33 : vector<128x8xi32>
    %convert_element_type3A = arith.extui %eq3A : vector<128x8xi1> to vector<128x8xi32>
    %convert_element_type3A_58 = arith.sitofp %convert_element_type3A : vector<128x8xi32> to vector<128x8xf32>
    %dot_general3A_59 = arith.constant dense<0.000000e+00> : vector<1000x8xf32>
    %dot_general3A_60 = tpu.matmul %mul3A_32, %convert_element_type3A_58, %dot_general3A_59 {dimension_numbers = #tpu.dot_dimension_numbers<[1], [0], [0], [1], [0, 0, 1, 1], [], []>, transpose_lhs_hint = false} : vector<1000x128xf32>, vector<128x8xf32>, vector<1000x8xf32> -> vector<1000x8xf32>
    %exp3A = math.exp %dot_general3A_60 : vector<1000x8xf32>
    %swap3A = arith.constant 0 : index
    %swap3A_61 = arith.constant 0 : index
    %swap3A_62 = vector.load %arg10[%swap3A, %swap3A_61] : memref<1000x128xf32, #tpu.memory_space<vmem>>, vector<1000x128xf32>
    tpu.vector_store %arg10[%swap3A, %swap3A_61], %add3A_9 {strides = array<i32>} : memref<1000x128xf32, #tpu.memory_space<vmem>>, vector<1000x128xf32>,
    %get3A_63 = arith.constant 0 : index
    %get3A_64 = arith.constant 0 : index
    %get3A_65 = vector.load %arg4[%get3A_63, %get3A_64] : memref<128x128xf32, #tpu.memory_space<vmem>>, vector<128x128xf32>
    %dot_general3A_66 = arith.constant dense<0.000000e+00> : vector<1000x128xf32>
    %dot_general3A_67 = tpu.matmul %get3A_1, %get3A_65, %dot_general3A_66 {dimension_numbers = #tpu.dot_dimension_numbers<[1], [1], [0], [0], [0, 0, 1, 0], [], []>, transpose_lhs_hint = false} : vector<1000x128xf32>, vector<128x128xf32>, vector<1000x128xf32> -> vector<1000x128xf32>
    %get3A_68 = arith.constant 0 : index
    %get3A_69 = arith.constant 0 : index
    %get3A_70 = vector.load %arg7[%get3A_68, %get3A_69] : memref<1x128xf32, #tpu.memory_space<vmem>>, vector<1x128xf32>
    %add3A_71 = vector.broadcast %get3A_70 : vector<1x128xf32> to vector<1000x128xf32>
    %add3A_72 = arith.addf %dot_general3A_67, %add3A_71 : vector<1000x128xf32>
    %iota3A_73 = tpu.iota {dimensions = array<i32: 0>} : vector<8x128xi32>
    %iota3A_74 = tpu.iota {dimensions = array<i32: 1>} : vector<8x128xi32>
    %jit3A_75 = arith.constant 16 : i32
    %div3A_76 = vector.broadcast %jit3A_75 : i32 to vector<8x128xi32>
    %div3A_77 = arith.divsi %iota3A_74, %div3A_76 : vector<8x128xi32>
    %sign3A_78 = arith.constant 0 : i32
    %sign3A_79 = vector.broadcast %sign3A_78 : i32 to vector<8x128xi32>
    %sign3A_80 = arith.cmpi sgt, %iota3A_74, %sign3A_79 : vector<8x128xi32>
    %sign3A_81 = arith.extui %sign3A_80 : vector<8x128xi1> to vector<8x128xi32>
    %sign3A_82 = arith.constant 0 : i32
    %sign3A_83 = vector.broadcast %sign3A_82 : i32 to vector<8x128xi32>
    %sign3A_84 = arith.cmpi slt, %iota3A_74, %sign3A_83 : vector<8x128xi32>
    %sign3A_85 = arith.extui %sign3A_84 : vector<8x128xi1> to vector<8x128xi32>
    %sign3A_86 = arith.subi %sign3A_81, %sign3A_85 : vector<8x128xi32>
    %sign3A_87 = arith.constant 0 : i32
    %sign3A_88 = arith.cmpi sgt, %jit3A_75, %sign3A_87 : i32
    %sign3A_89 = arith.extui %sign3A_88 : i1 to i32
    %sign3A_90 = arith.constant 0 : i32
    %sign3A_91 = arith.cmpi slt, %jit3A_75, %sign3A_90 : i32
    %sign3A_92 = arith.extui %sign3A_91 : i1 to i32
    %sign3A_93 = arith.subi %sign3A_89, %sign3A_92 : i32
    %ne3A_94 = vector.broadcast %sign3A_93 : i32 to vector<8x128xi32>
    %ne3A_95 = arith.cmpi ne, %sign3A_86, %ne3A_94 : vector<8x128xi32>
    %rem3A_96 = vector.broadcast %jit3A_75 : i32 to vector<8x128xi32>
    %rem3A_97 = arith.remsi %iota3A_74, %rem3A_96 : vector<8x128xi32>
    %ne3A_98 = arith.constant 0 : i32
    %ne3A_99 = vector.broadcast %ne3A_98 : i32 to vector<8x128xi32>
    %ne3A_100 = arith.cmpi ne, %rem3A_97, %ne3A_99 : vector<8x128xi32>
    %and3A_101 = arith.andi %ne3A_95, %ne3A_100 : vector<8x128xi1>
    %sub3A_102 = arith.constant 1 : i32
    %sub3A_103 = vector.broadcast %sub3A_102 : i32 to vector<8x128xi32>
    %sub3A_104 = arith.subi %div3A_77, %sub3A_103 : vector<8x128xi32>
    %select_n3A_105 = arith.select %and3A_101, %sub3A_104, %div3A_77 : vector<8x128xi1>, vector<8x128xi32>
    %eq3A_106 = arith.cmpi eq, %select_n3A_105, %iota3A_73 : vector<8x128xi32>
    %convert_element_type3A_107 = arith.extui %eq3A_106 : vector<8x128xi1> to vector<8x128xi32>
    %convert_element_type3A_108 = arith.sitofp %convert_element_type3A_107 : vector<8x128xi32> to vector<8x128xf32>
    %dot_general3A_109 = arith.constant dense<0.000000e+00> : vector<1000x128xf32>
    %dot_general3A_110 = tpu.matmul %exp3A, %convert_element_type3A_108, %dot_general3A_109 {dimension_numbers = #tpu.dot_dimension_numbers<[1], [0], [0], [1], [0, 0, 1, 1], [], []>, transpose_lhs_hint = false} : vector<1000x8xf32>, vector<8x128xf32>, vector<1000x128xf32> -> vector<1000x128xf32>
    %mul3A_111 = arith.mulf %add3A_72, %dot_general3A_110 : vector<1000x128xf32>
    %swap3A_112 = arith.constant 0 : index
    %swap3A_113 = arith.constant 0 : index
    %swap3A_114 = vector.load %arg11[%swap3A_112, %swap3A_113] : memref<1000x128xf32, #tpu.memory_space<vmem>>, vector<1000x128xf32>
    tpu.vector_store %arg11[%swap3A_112, %swap3A_113], %mul3A_111 {strides = array<i32>} : memref<1000x128xf32, #tpu.memory_space<vmem>>, vector<1000x128xf32>,
    %swap3A_115 = arith.constant 0 : index
    %swap3A_116 = arith.constant 0 : index
    %swap3A_117 = vector.load %arg12[%swap3A_115, %swap3A_116] : memref<1000x8xf32, #tpu.memory_space<vmem>>, vector<1000x8xf32>
    tpu.vector_store %arg12[%swap3A_115, %swap3A_116], %exp3A {strides = array<i32>} : memref<1000x8xf32, #tpu.memory_space<vmem>>, vector<1000x8xf32>,
    return
  }
  func.func @transform_0(%arg0: i32) -> (i32, i32) {
    %c0_i32 = arith.constant 0 : i32
    %c0_i32_0 = arith.constant 0 : i32
    return %arg0, %c0_i32 : i32, i32
  }
  func.func @transform_1(%arg0: i32) -> (i32, i32) {
    %c0_i32 = arith.constant 0 : i32
    %c0_i32_0 = arith.constant 0 : i32
    %c0_i32_1 = arith.constant 0 : i32
    return %c0_i32, %c0_i32_0 : i32, i32
  }
  func.func @transform_2(%arg0: i32) -> (i32, i32) {
    %c0_i32 = arith.constant 0 : i32
    %c0_i32_0 = arith.constant 0 : i32
    %c0_i32_1 = arith.constant 0 : i32
    return %c0_i32, %c0_i32_0 : i32, i32
  }
  func.func @transform_3(%arg0: i32) -> (i32, i32) {
    %c0_i32 = arith.constant 0 : i32
    %c0_i32_0 = arith.constant 0 : i32
    %c0_i32_1 = arith.constant 0 : i32
    return %c0_i32, %c0_i32_0 : i32, i32
  }
  func.func @transform_4(%arg0: i32) -> (i32, i32) {
    %c0_i32 = arith.constant 0 : i32
    %c0_i32_0 = arith.constant 0 : i32
    %c0_i32_1 = arith.constant 0 : i32
    return %c0_i32, %c0_i32_0 : i32, i32
  }
  func.func @transform_5(%arg0: i32) -> (i32, i32) {
    %c0_i32 = arith.constant 0 : i32
    %c0_i32_0 = arith.constant 0 : i32
    %c0_i32_1 = arith.constant 0 : i32
    return %c0_i32, %c0_i32_0 : i32, i32
  }
  func.func @transform_6(%arg0: i32) -> (i32, i32) {
    %c0_i32 = arith.constant 0 : i32
    %c0_i32_0 = arith.constant 0 : i32
    %c0_i32_1 = arith.constant 0 : i32
    return %c0_i32, %c0_i32_0 : i32, i32
  }
  func.func @transform_7(%arg0: i32) -> (i32, i32) {
    %c0_i32 = arith.constant 0 : i32
    %c0_i32_0 = arith.constant 0 : i32
    %c0_i32_1 = arith.constant 0 : i32
    return %c0_i32, %c0_i32_0 : i32, i32
  }
  func.func @transform_8(%arg0: i32) -> (i32, i32) {
    %c0_i32 = arith.constant 0 : i32
    %c0_i32_0 = arith.constant 0 : i32
    %c0_i32_1 = arith.constant 0 : i32
    return %c0_i32, %c0_i32_0 : i32, i32
  }
  func.func @transform_9(%arg0: i32) -> (i32, i32) {
    %c0_i32 = arith.constant 0 : i32
    %c0_i32_0 = arith.constant 0 : i32
    return %arg0, %c0_i32 : i32, i32
  }
  func.func @transform_10(%arg0: i32) -> (i32, i32) {
    %c0_i32 = arith.constant 0 : i32
    %c0_i32_0 = arith.constant 0 : i32
    return %arg0, %c0_i32 : i32, i32
  }
  func.func @transform_11(%arg0: i32) -> (i32, i32) {
    %c0_i32 = arith.constant 0 : i32
    %c0_i32_0 = arith.constant 0 : i32
    return %arg0, %c0_i32 : i32, i32
  }
}

module attributes {stable_mosaic.version = 14 : i64} {
  func.func @_edge_body(%arg0: i32, %arg1: memref<640x128xf32, #tpu.memory_space<vmem>>, %arg2: memref<640x128xf32, #tpu.memory_space<vmem>>, %arg3: memref<640x128xf32, #tpu.memory_space<vmem>>, %arg4: memref<640x1xi32, #tpu.memory_space<vmem>>, %arg5: memref<128x128xf32, #tpu.memory_space<vmem>>, %arg6: memref<128x128xf32, #tpu.memory_space<vmem>>, %arg7: memref<1x128xf32, #tpu.memory_space<vmem>>, %arg8: memref<1x128xf32, #tpu.memory_space<vmem>>, %arg9: memref<1x128xf32, #tpu.memory_space<vmem>>, %arg10: memref<1x1xf32, #tpu.memory_space<vmem>>, %arg11: memref<640x128xf32, #tpu.memory_space<vmem>>, %arg12: memref<640x128xf32, #tpu.memory_space<vmem>>) attributes {dimension_semantics = [#tpu.dimension_semantics<arbitrary>], iteration_bounds = array<i64: 500>, scalar_prefetch = 0 : i64, scratch_operands = 0 : i64, tpu.core_type = #tpu.core_type<tc>, window_params = [{transform_indices = @transform_0, window_bounds = array<i64: 640, 128>}, {transform_indices = @transform_1, window_bounds = array<i64: 640, 128>}, {transform_indices = @transform_2, window_bounds = array<i64: 640, 128>}, {transform_indices = @transform_3, window_bounds = array<i64: 640, 1>}, {pipeline_mode = #tpu.pipeline_mode<synchronous>, transform_indices = @transform_4, window_bounds = array<i64: 128, 128>}, {pipeline_mode = #tpu.pipeline_mode<synchronous>, transform_indices = @transform_5, window_bounds = array<i64: 128, 128>}, {pipeline_mode = #tpu.pipeline_mode<synchronous>, transform_indices = @transform_6, window_bounds = array<i64: 1, 128>}, {pipeline_mode = #tpu.pipeline_mode<synchronous>, transform_indices = @transform_7, window_bounds = array<i64: 1, 128>}, {pipeline_mode = #tpu.pipeline_mode<synchronous>, transform_indices = @transform_8, window_bounds = array<i64: 1, 128>}, {pipeline_mode = #tpu.pipeline_mode<synchronous>, transform_indices = @transform_9, window_bounds = array<i64: 1, 1>}, {transform_indices = @transform_10, window_bounds = array<i64: 640, 128>}, {transform_indices = @transform_11, window_bounds = array<i64: 640, 128>}]} {
    %get3A = arith.constant 0 : index
    %get3A_0 = arith.constant 0 : index
    %get3A_1 = vector.load %arg1[%get3A, %get3A_0] : memref<640x128xf32, #tpu.memory_space<vmem>>, vector<640x128xf32>
    %get3A_2 = arith.constant 0 : index
    %get3A_3 = arith.constant 0 : index
    %get3A_4 = vector.load %arg5[%get3A_2, %get3A_3] : memref<128x128xf32, #tpu.memory_space<vmem>>, vector<128x128xf32>
    %dot_general3A = arith.constant dense<0.000000e+00> : vector<640x128xf32>
    %dot_general3A_5 = tpu.matmul %get3A_1, %get3A_4, %dot_general3A {dimension_numbers = #tpu.dot_dimension_numbers<[1], [1], [0], [0], [0, 0, 1, 0], [], []>, transpose_lhs_hint = false} : vector<640x128xf32>, vector<128x128xf32>, vector<640x128xf32> -> vector<640x128xf32>
    %get3A_6 = arith.constant 0 : index
    %get3A_7 = arith.constant 0 : index
    %get3A_8 = vector.load %arg7[%get3A_6, %get3A_7] : memref<1x128xf32, #tpu.memory_space<vmem>>, vector<1x128xf32>
    %add3A = vector.broadcast %get3A_8 : vector<1x128xf32> to vector<640x128xf32>
    %add3A_9 = arith.addf %dot_general3A_5, %add3A : vector<640x128xf32>
    %get3A_10 = arith.constant 0 : index
    %get3A_11 = arith.constant 0 : index
    %get3A_12 = vector.load %arg3[%get3A_10, %get3A_11] : memref<640x128xf32, #tpu.memory_space<vmem>>, vector<640x128xf32>
    %add3A_13 = arith.addf %get3A_12, %add3A_9 : vector<640x128xf32>
    %get3A_14 = arith.constant 0 : index
    %get3A_15 = arith.constant 0 : index
    %get3A_16 = vector.load %arg10[%get3A_14, %get3A_15] : memref<1x1xf32, #tpu.memory_space<vmem>>, vector<1x1xf32>
    %get3A_17 = vector.extract %get3A_16[0, 0] : f32 from vector<1x1xf32>
    %ge3A = arith.constant 0.000000e+00 : f32
    %ge3A_18 = vector.broadcast %ge3A : f32 to vector<640x128xf32>
    %ge3A_19 = arith.cmpf oge, %add3A_13, %ge3A_18 : vector<640x128xf32>
    %mul3A = vector.broadcast %get3A_17 : f32 to vector<640x128xf32>
    %mul3A_20 = arith.mulf %mul3A, %add3A_13 : vector<640x128xf32>
    %select_n3A = arith.select %ge3A_19, %add3A_13, %mul3A_20 : vector<640x128xi1>, vector<640x128xf32>
    %get3A_21 = arith.constant 0 : index
    %get3A_22 = arith.constant 0 : index
    %get3A_23 = vector.load %arg9[%get3A_21, %get3A_22] : memref<1x128xf32, #tpu.memory_space<vmem>>, vector<1x128xf32>
    %mul3A_24 = vector.broadcast %get3A_23 : vector<1x128xf32> to vector<640x128xf32>
    %mul3A_25 = arith.mulf %select_n3A, %mul3A_24 : vector<640x128xf32>
    %iota3A = tpu.iota {dimensions = array<i32: 0>} : vector<128x8xi32>
    %iota3A_26 = tpu.iota {dimensions = array<i32: 1>} : vector<128x8xi32>
    %jit3A = arith.constant 16 : i32
    %div3A = vector.broadcast %jit3A : i32 to vector<128x8xi32>
    %div3A_27 = arith.divsi %iota3A, %div3A : vector<128x8xi32>
    %sign3A = arith.constant 0 : i32
    %sign3A_28 = vector.broadcast %sign3A : i32 to vector<128x8xi32>
    %sign3A_29 = arith.cmpi sgt, %iota3A, %sign3A_28 : vector<128x8xi32>
    %sign3A_30 = arith.extui %sign3A_29 : vector<128x8xi1> to vector<128x8xi32>
    %sign3A_31 = arith.constant 0 : i32
    %sign3A_32 = vector.broadcast %sign3A_31 : i32 to vector<128x8xi32>
    %sign3A_33 = arith.cmpi slt, %iota3A, %sign3A_32 : vector<128x8xi32>
    %sign3A_34 = arith.extui %sign3A_33 : vector<128x8xi1> to vector<128x8xi32>
    %sign3A_35 = arith.subi %sign3A_30, %sign3A_34 : vector<128x8xi32>
    %sign3A_36 = arith.constant 0 : i32
    %sign3A_37 = arith.cmpi sgt, %jit3A, %sign3A_36 : i32
    %sign3A_38 = arith.extui %sign3A_37 : i1 to i32
    %sign3A_39 = arith.constant 0 : i32
    %sign3A_40 = arith.cmpi slt, %jit3A, %sign3A_39 : i32
    %sign3A_41 = arith.extui %sign3A_40 : i1 to i32
    %sign3A_42 = arith.subi %sign3A_38, %sign3A_41 : i32
    %ne3A = vector.broadcast %sign3A_42 : i32 to vector<128x8xi32>
    %ne3A_43 = arith.cmpi ne, %sign3A_35, %ne3A : vector<128x8xi32>
    %rem3A = vector.broadcast %jit3A : i32 to vector<128x8xi32>
    %rem3A_44 = arith.remsi %iota3A, %rem3A : vector<128x8xi32>
    %ne3A_45 = arith.constant 0 : i32
    %ne3A_46 = vector.broadcast %ne3A_45 : i32 to vector<128x8xi32>
    %ne3A_47 = arith.cmpi ne, %rem3A_44, %ne3A_46 : vector<128x8xi32>
    %and3A = arith.andi %ne3A_43, %ne3A_47 : vector<128x8xi1>
    %sub3A = arith.constant 1 : i32
    %sub3A_48 = vector.broadcast %sub3A : i32 to vector<128x8xi32>
    %sub3A_49 = arith.subi %div3A_27, %sub3A_48 : vector<128x8xi32>
    %select_n3A_50 = arith.select %and3A, %sub3A_49, %div3A_27 : vector<128x8xi1>, vector<128x8xi32>
    %eq3A = arith.cmpi eq, %select_n3A_50, %iota3A_26 : vector<128x8xi32>
    %convert_element_type3A = arith.extui %eq3A : vector<128x8xi1> to vector<128x8xi32>
    %convert_element_type3A_51 = arith.sitofp %convert_element_type3A : vector<128x8xi32> to vector<128x8xf32>
    %dot_general3A_52 = arith.constant dense<0.000000e+00> : vector<640x8xf32>
    %dot_general3A_53 = tpu.matmul %mul3A_25, %convert_element_type3A_51, %dot_general3A_52 {dimension_numbers = #tpu.dot_dimension_numbers<[1], [0], [0], [1], [0, 0, 1, 1], [], []>, transpose_lhs_hint = false} : vector<640x128xf32>, vector<128x8xf32>, vector<640x8xf32> -> vector<640x8xf32>
    %exp3A = math.exp %dot_general3A_53 : vector<640x8xf32>
    %get3A_54 = arith.constant 0 : index
    %get3A_55 = arith.constant 0 : index
    %get3A_56 = vector.load %arg2[%get3A_54, %get3A_55] : memref<640x128xf32, #tpu.memory_space<vmem>>, vector<640x128xf32>
    %get3A_57 = arith.constant 0 : index
    %get3A_58 = arith.constant 0 : index
    %get3A_59 = vector.load %arg6[%get3A_57, %get3A_58] : memref<128x128xf32, #tpu.memory_space<vmem>>, vector<128x128xf32>
    %dot_general3A_60 = arith.constant dense<0.000000e+00> : vector<640x128xf32>
    %dot_general3A_61 = tpu.matmul %get3A_56, %get3A_59, %dot_general3A_60 {dimension_numbers = #tpu.dot_dimension_numbers<[1], [1], [0], [0], [0, 0, 1, 0], [], []>, transpose_lhs_hint = false} : vector<640x128xf32>, vector<128x128xf32>, vector<640x128xf32> -> vector<640x128xf32>
    %get3A_62 = arith.constant 0 : index
    %get3A_63 = arith.constant 0 : index
    %get3A_64 = vector.load %arg8[%get3A_62, %get3A_63] : memref<1x128xf32, #tpu.memory_space<vmem>>, vector<1x128xf32>
    %add3A_65 = vector.broadcast %get3A_64 : vector<1x128xf32> to vector<640x128xf32>
    %add3A_66 = arith.addf %dot_general3A_61, %add3A_65 : vector<640x128xf32>
    %iota3A_67 = tpu.iota {dimensions = array<i32: 0>} : vector<8x128xi32>
    %iota3A_68 = tpu.iota {dimensions = array<i32: 1>} : vector<8x128xi32>
    %jit3A_69 = arith.constant 16 : i32
    %div3A_70 = vector.broadcast %jit3A_69 : i32 to vector<8x128xi32>
    %div3A_71 = arith.divsi %iota3A_68, %div3A_70 : vector<8x128xi32>
    %sign3A_72 = arith.constant 0 : i32
    %sign3A_73 = vector.broadcast %sign3A_72 : i32 to vector<8x128xi32>
    %sign3A_74 = arith.cmpi sgt, %iota3A_68, %sign3A_73 : vector<8x128xi32>
    %sign3A_75 = arith.extui %sign3A_74 : vector<8x128xi1> to vector<8x128xi32>
    %sign3A_76 = arith.constant 0 : i32
    %sign3A_77 = vector.broadcast %sign3A_76 : i32 to vector<8x128xi32>
    %sign3A_78 = arith.cmpi slt, %iota3A_68, %sign3A_77 : vector<8x128xi32>
    %sign3A_79 = arith.extui %sign3A_78 : vector<8x128xi1> to vector<8x128xi32>
    %sign3A_80 = arith.subi %sign3A_75, %sign3A_79 : vector<8x128xi32>
    %sign3A_81 = arith.constant 0 : i32
    %sign3A_82 = arith.cmpi sgt, %jit3A_69, %sign3A_81 : i32
    %sign3A_83 = arith.extui %sign3A_82 : i1 to i32
    %sign3A_84 = arith.constant 0 : i32
    %sign3A_85 = arith.cmpi slt, %jit3A_69, %sign3A_84 : i32
    %sign3A_86 = arith.extui %sign3A_85 : i1 to i32
    %sign3A_87 = arith.subi %sign3A_83, %sign3A_86 : i32
    %ne3A_88 = vector.broadcast %sign3A_87 : i32 to vector<8x128xi32>
    %ne3A_89 = arith.cmpi ne, %sign3A_80, %ne3A_88 : vector<8x128xi32>
    %rem3A_90 = vector.broadcast %jit3A_69 : i32 to vector<8x128xi32>
    %rem3A_91 = arith.remsi %iota3A_68, %rem3A_90 : vector<8x128xi32>
    %ne3A_92 = arith.constant 0 : i32
    %ne3A_93 = vector.broadcast %ne3A_92 : i32 to vector<8x128xi32>
    %ne3A_94 = arith.cmpi ne, %rem3A_91, %ne3A_93 : vector<8x128xi32>
    %and3A_95 = arith.andi %ne3A_89, %ne3A_94 : vector<8x128xi1>
    %sub3A_96 = arith.constant 1 : i32
    %sub3A_97 = vector.broadcast %sub3A_96 : i32 to vector<8x128xi32>
    %sub3A_98 = arith.subi %div3A_71, %sub3A_97 : vector<8x128xi32>
    %select_n3A_99 = arith.select %and3A_95, %sub3A_98, %div3A_71 : vector<8x128xi1>, vector<8x128xi32>
    %eq3A_100 = arith.cmpi eq, %select_n3A_99, %iota3A_67 : vector<8x128xi32>
    %convert_element_type3A_101 = arith.extui %eq3A_100 : vector<8x128xi1> to vector<8x128xi32>
    %convert_element_type3A_102 = arith.sitofp %convert_element_type3A_101 : vector<8x128xi32> to vector<8x128xf32>
    %dot_general3A_103 = arith.constant dense<0.000000e+00> : vector<640x128xf32>
    %dot_general3A_104 = tpu.matmul %exp3A, %convert_element_type3A_102, %dot_general3A_103 {dimension_numbers = #tpu.dot_dimension_numbers<[1], [0], [0], [1], [0, 0, 1, 1], [], []>, transpose_lhs_hint = false} : vector<640x8xf32>, vector<8x128xf32>, vector<640x128xf32> -> vector<640x128xf32>
    %mul3A_105 = arith.mulf %add3A_66, %dot_general3A_104 : vector<640x128xf32>
    %swap3A = arith.constant 0 : index
    %swap3A_106 = arith.constant 0 : index
    %swap3A_107 = vector.load %arg11[%swap3A, %swap3A_106] : memref<640x128xf32, #tpu.memory_space<vmem>>, vector<640x128xf32>
    tpu.vector_store %arg11[%swap3A, %swap3A_106], %mul3A_105 {strides = array<i32>} : memref<640x128xf32, #tpu.memory_space<vmem>>, vector<640x128xf32>,
    %iota3A_108 = tpu.iota {dimensions = array<i32: 1>} : vector<640x128xi32>
    %get3A_109 = arith.constant 0 : index
    %get3A_110 = arith.constant 0 : index
    %get3A_111 = vector.load %arg4[%get3A_109, %get3A_110] : memref<640x1xi32, #tpu.memory_space<vmem>>, vector<640x1xi32>
    %and3A_112 = arith.constant 15 : i32
    %and3A_113 = vector.broadcast %and3A_112 : i32 to vector<640x1xi32>
    %and3A_114 = arith.andi %get3A_111, %and3A_113 : vector<640x1xi32>
    %shift_right_logical3A = arith.constant 3 : i32
    %shift_right_logical3A_115 = vector.broadcast %shift_right_logical3A : i32 to vector<640x128xi32>
    %shift_right_logical3A_116 = arith.shrui %iota3A_108, %shift_right_logical3A_115 : vector<640x128xi32>
    %eq3A_117 = vector.broadcast %and3A_114 : vector<640x1xi32> to vector<640x128xi32>
    %eq3A_118 = arith.cmpi eq, %shift_right_logical3A_116, %eq3A_117 : vector<640x128xi32>
    %iota3A_119 = tpu.iota {dimensions = array<i32: 0>} : vector<8x128xi32>
    %iota3A_120 = tpu.iota {dimensions = array<i32: 1>} : vector<8x128xi32>
    %jit3A_121 = arith.constant 8 : i32
    %eq3A_122 = arith.constant 0 : i32
    %eq3A_123 = arith.cmpi eq, %jit3A_121, %eq3A_122 : i32
    %jit3A_124 = arith.constant 1 : i32
    %select_n3A_125 = arith.select %eq3A_123, %jit3A_124, %jit3A_121 : i32
    %rem3A_126 = vector.broadcast %select_n3A_125 : i32 to vector<8x128xi32>
    %rem3A_127 = arith.remsi %iota3A_120, %rem3A_126 : vector<8x128xi32>
    %ne3A_128 = arith.constant 0 : i32
    %ne3A_129 = vector.broadcast %ne3A_128 : i32 to vector<8x128xi32>
    %ne3A_130 = arith.cmpi ne, %rem3A_127, %ne3A_129 : vector<8x128xi32>
    %lt3A = arith.constant 0 : i32
    %lt3A_131 = vector.broadcast %lt3A : i32 to vector<8x128xi32>
    %lt3A_132 = arith.cmpi slt, %rem3A_127, %lt3A_131 : vector<8x128xi32>
    %lt3A_133 = arith.constant 0 : i32
    %lt3A_134 = arith.cmpi slt, %select_n3A_125, %lt3A_133 : i32
    %ne3A_135 = vector.broadcast %lt3A_134 : i1 to vector<8x128xi1>
    %ne3A_136 = vector.broadcast %ne3A_135 : vector<8x128xi1> to vector<8x128xi1>
    %ne3A_137 = arith.xori %lt3A_132, %ne3A_136 : vector<8x128xi1>
    %and3A_138 = arith.andi %ne3A_137, %ne3A_130 : vector<8x128xi1>
    %add3A_139 = vector.broadcast %select_n3A_125 : i32 to vector<8x128xi32>
    %add3A_140 = arith.addi %rem3A_127, %add3A_139 : vector<8x128xi32>
    %select_n3A_141 = arith.select %and3A_138, %add3A_140, %rem3A_127 : vector<8x128xi1>, vector<8x128xi32>
    %eq3A_142 = arith.cmpi eq, %select_n3A_141, %iota3A_119 : vector<8x128xi32>
    %convert_element_type3A_143 = arith.extui %eq3A_142 : vector<8x128xi1> to vector<8x128xi32>
    %convert_element_type3A_144 = arith.sitofp %convert_element_type3A_143 : vector<8x128xi32> to vector<8x128xf32>
    %dot_general3A_145 = arith.constant dense<0.000000e+00> : vector<640x128xf32>
    %dot_general3A_146 = tpu.matmul %exp3A, %convert_element_type3A_144, %dot_general3A_145 {dimension_numbers = #tpu.dot_dimension_numbers<[1], [0], [0], [1], [0, 0, 1, 1], [], []>, transpose_lhs_hint = false} : vector<640x8xf32>, vector<8x128xf32>, vector<640x128xf32> -> vector<640x128xf32>
    %convert_element_type3A_147 = arith.extui %eq3A_118 : vector<640x128xi1> to vector<640x128xi32>
    %convert_element_type3A_148 = arith.sitofp %convert_element_type3A_147 : vector<640x128xi32> to vector<640x128xf32>
    %mul3A_149 = arith.mulf %dot_general3A_146, %convert_element_type3A_148 : vector<640x128xf32>
    %swap3A_150 = arith.constant 0 : index
    %swap3A_151 = arith.constant 0 : index
    %swap3A_152 = vector.load %arg12[%swap3A_150, %swap3A_151] : memref<640x128xf32, #tpu.memory_space<vmem>>, vector<640x128xf32>
    tpu.vector_store %arg12[%swap3A_150, %swap3A_151], %mul3A_149 {strides = array<i32>} : memref<640x128xf32, #tpu.memory_space<vmem>>, vector<640x128xf32>,
    return
  }
  func.func @transform_0(%arg0: i32) -> (i32, i32) {
    %c0_i32 = arith.constant 0 : i32
    %c0_i32_0 = arith.constant 0 : i32
    return %arg0, %c0_i32 : i32, i32
  }
  func.func @transform_1(%arg0: i32) -> (i32, i32) {
    %c0_i32 = arith.constant 0 : i32
    %c0_i32_0 = arith.constant 0 : i32
    return %arg0, %c0_i32 : i32, i32
  }
  func.func @transform_2(%arg0: i32) -> (i32, i32) {
    %c0_i32 = arith.constant 0 : i32
    %c0_i32_0 = arith.constant 0 : i32
    return %arg0, %c0_i32 : i32, i32
  }
  func.func @transform_3(%arg0: i32) -> (i32, i32) {
    %c0_i32 = arith.constant 0 : i32
    %c0_i32_0 = arith.constant 0 : i32
    return %arg0, %c0_i32 : i32, i32
  }
  func.func @transform_4(%arg0: i32) -> (i32, i32) {
    %c0_i32 = arith.constant 0 : i32
    %c0_i32_0 = arith.constant 0 : i32
    %c0_i32_1 = arith.constant 0 : i32
    return %c0_i32, %c0_i32_0 : i32, i32
  }
  func.func @transform_5(%arg0: i32) -> (i32, i32) {
    %c0_i32 = arith.constant 0 : i32
    %c0_i32_0 = arith.constant 0 : i32
    %c0_i32_1 = arith.constant 0 : i32
    return %c0_i32, %c0_i32_0 : i32, i32
  }
  func.func @transform_6(%arg0: i32) -> (i32, i32) {
    %c0_i32 = arith.constant 0 : i32
    %c0_i32_0 = arith.constant 0 : i32
    %c0_i32_1 = arith.constant 0 : i32
    return %c0_i32, %c0_i32_0 : i32, i32
  }
  func.func @transform_7(%arg0: i32) -> (i32, i32) {
    %c0_i32 = arith.constant 0 : i32
    %c0_i32_0 = arith.constant 0 : i32
    %c0_i32_1 = arith.constant 0 : i32
    return %c0_i32, %c0_i32_0 : i32, i32
  }
  func.func @transform_8(%arg0: i32) -> (i32, i32) {
    %c0_i32 = arith.constant 0 : i32
    %c0_i32_0 = arith.constant 0 : i32
    %c0_i32_1 = arith.constant 0 : i32
    return %c0_i32, %c0_i32_0 : i32, i32
  }
  func.func @transform_9(%arg0: i32) -> (i32, i32) {
    %c0_i32 = arith.constant 0 : i32
    %c0_i32_0 = arith.constant 0 : i32
    %c0_i32_1 = arith.constant 0 : i32
    return %c0_i32, %c0_i32_0 : i32, i32
  }
  func.func @transform_10(%arg0: i32) -> (i32, i32) {
    %c0_i32 = arith.constant 0 : i32
    %c0_i32_0 = arith.constant 0 : i32
    return %arg0, %c0_i32 : i32, i32
  }
  func.func @transform_11(%arg0: i32) -> (i32, i32) {
    %c0_i32 = arith.constant 0 : i32
    %c0_i32_0 = arith.constant 0 : i32
    return %arg0, %c0_i32 : i32, i32
  }
}

module attributes {stable_mosaic.version = 14 : i64} {
  func.func @_finish_body(%arg0: i32, %arg1: memref<1000x128xf32, #tpu.memory_space<vmem>>, %arg2: memref<1000x128xf32, #tpu.memory_space<vmem>>, %arg3: memref<1000x8xf32, #tpu.memory_space<vmem>>, %arg4: memref<1000x8xf32, #tpu.memory_space<vmem>>, %arg5: memref<128x128xf32, #tpu.memory_space<vmem>>, %arg6: memref<1x128xf32, #tpu.memory_space<vmem>>, %arg7: memref<1x128xf32, #tpu.memory_space<vmem>>, %arg8: memref<1x128xf32, #tpu.memory_space<vmem>>, %arg9: memref<1000x128xf32, #tpu.memory_space<vmem>>) attributes {dimension_semantics = [#tpu.dimension_semantics<arbitrary>], iteration_bounds = array<i64: 10>, scalar_prefetch = 0 : i64, scratch_operands = 0 : i64, tpu.core_type = #tpu.core_type<tc>, window_params = [{transform_indices = @transform_0, window_bounds = array<i64: 1000, 128>}, {transform_indices = @transform_1, window_bounds = array<i64: 1000, 128>}, {transform_indices = @transform_2, window_bounds = array<i64: 1000, 8>}, {transform_indices = @transform_3, window_bounds = array<i64: 1000, 8>}, {pipeline_mode = #tpu.pipeline_mode<synchronous>, transform_indices = @transform_4, window_bounds = array<i64: 128, 128>}, {pipeline_mode = #tpu.pipeline_mode<synchronous>, transform_indices = @transform_5, window_bounds = array<i64: 1, 128>}, {pipeline_mode = #tpu.pipeline_mode<synchronous>, transform_indices = @transform_6, window_bounds = array<i64: 1, 128>}, {pipeline_mode = #tpu.pipeline_mode<synchronous>, transform_indices = @transform_7, window_bounds = array<i64: 1, 128>}, {transform_indices = @transform_8, window_bounds = array<i64: 1000, 128>}]} {
    %get3A = arith.constant 0 : index
    %get3A_0 = arith.constant 0 : index
    %get3A_1 = vector.load %arg3[%get3A, %get3A_0] : memref<1000x8xf32, #tpu.memory_space<vmem>>, vector<1000x8xf32>
    %get3A_2 = arith.constant 0 : index
    %get3A_3 = arith.constant 0 : index
    %get3A_4 = vector.load %arg4[%get3A_2, %get3A_3] : memref<1000x8xf32, #tpu.memory_space<vmem>>, vector<1000x8xf32>
    %add3A = arith.addf %get3A_1, %get3A_4 : vector<1000x8xf32>
    %iota3A = tpu.iota {dimensions = array<i32: 0>} : vector<8x128xi32>
    %iota3A_5 = tpu.iota {dimensions = array<i32: 1>} : vector<8x128xi32>
    %jit3A = arith.constant 16 : i32
    %div3A = vector.broadcast %jit3A : i32 to vector<8x128xi32>
    %div3A_6 = arith.divsi %iota3A_5, %div3A : vector<8x128xi32>
    %sign3A = arith.constant 0 : i32
    %sign3A_7 = vector.broadcast %sign3A : i32 to vector<8x128xi32>
    %sign3A_8 = arith.cmpi sgt, %iota3A_5, %sign3A_7 : vector<8x128xi32>
    %sign3A_9 = arith.extui %sign3A_8 : vector<8x128xi1> to vector<8x128xi32>
    %sign3A_10 = arith.constant 0 : i32
    %sign3A_11 = vector.broadcast %sign3A_10 : i32 to vector<8x128xi32>
    %sign3A_12 = arith.cmpi slt, %iota3A_5, %sign3A_11 : vector<8x128xi32>
    %sign3A_13 = arith.extui %sign3A_12 : vector<8x128xi1> to vector<8x128xi32>
    %sign3A_14 = arith.subi %sign3A_9, %sign3A_13 : vector<8x128xi32>
    %sign3A_15 = arith.constant 0 : i32
    %sign3A_16 = arith.cmpi sgt, %jit3A, %sign3A_15 : i32
    %sign3A_17 = arith.extui %sign3A_16 : i1 to i32
    %sign3A_18 = arith.constant 0 : i32
    %sign3A_19 = arith.cmpi slt, %jit3A, %sign3A_18 : i32
    %sign3A_20 = arith.extui %sign3A_19 : i1 to i32
    %sign3A_21 = arith.subi %sign3A_17, %sign3A_20 : i32
    %ne3A = vector.broadcast %sign3A_21 : i32 to vector<8x128xi32>
    %ne3A_22 = arith.cmpi ne, %sign3A_14, %ne3A : vector<8x128xi32>
    %rem3A = vector.broadcast %jit3A : i32 to vector<8x128xi32>
    %rem3A_23 = arith.remsi %iota3A_5, %rem3A : vector<8x128xi32>
    %ne3A_24 = arith.constant 0 : i32
    %ne3A_25 = vector.broadcast %ne3A_24 : i32 to vector<8x128xi32>
    %ne3A_26 = arith.cmpi ne, %rem3A_23, %ne3A_25 : vector<8x128xi32>
    %and3A = arith.andi %ne3A_22, %ne3A_26 : vector<8x128xi1>
    %sub3A = arith.constant 1 : i32
    %sub3A_27 = vector.broadcast %sub3A : i32 to vector<8x128xi32>
    %sub3A_28 = arith.subi %div3A_6, %sub3A_27 : vector<8x128xi32>
    %select_n3A = arith.select %and3A, %sub3A_28, %div3A_6 : vector<8x128xi1>, vector<8x128xi32>
    %eq3A = arith.cmpi eq, %select_n3A, %iota3A : vector<8x128xi32>
    %convert_element_type3A = arith.extui %eq3A : vector<8x128xi1> to vector<8x128xi32>
    %convert_element_type3A_29 = arith.sitofp %convert_element_type3A : vector<8x128xi32> to vector<8x128xf32>
    %dot_general3A = arith.constant dense<0.000000e+00> : vector<1000x128xf32>
    %dot_general3A_30 = tpu.matmul %add3A, %convert_element_type3A_29, %dot_general3A {dimension_numbers = #tpu.dot_dimension_numbers<[1], [0], [0], [1], [0, 0, 1, 1], [], []>, transpose_lhs_hint = false} : vector<1000x8xf32>, vector<8x128xf32>, vector<1000x128xf32> -> vector<1000x128xf32>
    %get3A_31 = arith.constant 0 : index
    %get3A_32 = arith.constant 0 : index
    %get3A_33 = vector.load %arg1[%get3A_31, %get3A_32] : memref<1000x128xf32, #tpu.memory_space<vmem>>, vector<1000x128xf32>
    %get3A_34 = arith.constant 0 : index
    %get3A_35 = arith.constant 0 : index
    %get3A_36 = vector.load %arg2[%get3A_34, %get3A_35] : memref<1000x128xf32, #tpu.memory_space<vmem>>, vector<1000x128xf32>
    %add3A_37 = arith.addf %get3A_33, %get3A_36 : vector<1000x128xf32>
    %div3A_38 = arith.divf %add3A_37, %dot_general3A_30 : vector<1000x128xf32>
    %get3A_39 = arith.constant 0 : index
    %get3A_40 = arith.constant 0 : index
    %get3A_41 = vector.load %arg5[%get3A_39, %get3A_40] : memref<128x128xf32, #tpu.memory_space<vmem>>, vector<128x128xf32>
    %dot_general3A_42 = arith.constant dense<0.000000e+00> : vector<1000x128xf32>
    %dot_general3A_43 = tpu.matmul %div3A_38, %get3A_41, %dot_general3A_42 {dimension_numbers = #tpu.dot_dimension_numbers<[1], [1], [0], [0], [0, 0, 1, 0], [], []>, transpose_lhs_hint = false} : vector<1000x128xf32>, vector<128x128xf32>, vector<1000x128xf32> -> vector<1000x128xf32>
    %get3A_44 = arith.constant 0 : index
    %get3A_45 = arith.constant 0 : index
    %get3A_46 = vector.load %arg6[%get3A_44, %get3A_45] : memref<1x128xf32, #tpu.memory_space<vmem>>, vector<1x128xf32>
    %add3A_47 = vector.broadcast %get3A_46 : vector<1x128xf32> to vector<1000x128xf32>
    %add3A_48 = arith.addf %dot_general3A_43, %add3A_47 : vector<1000x128xf32>
    %reduce_sum3A = arith.constant dense<0.000000e+00> : vector<1000xf32>
    %reduce_sum3A_49 = vector.multi_reduction <add>, %add3A_48, %reduce_sum3A [1] : vector<1000x128xf32> to vector<1000xf32>
    %broadcast_in_dim3A = vector.shape_cast %reduce_sum3A_49 : vector<1000xf32> to vector<1000x1xf32>
    %div3A_50 = arith.constant 1.280000e+02 : f32
    %div3A_51 = vector.broadcast %div3A_50 : f32 to vector<1000x1xf32>
    %div3A_52 = arith.divf %broadcast_in_dim3A, %div3A_51 : vector<1000x1xf32>
    %sub3A_53 = vector.broadcast %div3A_52 : vector<1000x1xf32> to vector<1000x128xf32>
    %sub3A_54 = arith.subf %add3A_48, %sub3A_53 : vector<1000x128xf32>
    %integer_pow3A = arith.mulf %sub3A_54, %sub3A_54 : vector<1000x128xf32>
    %reduce_sum3A_55 = arith.constant dense<0.000000e+00> : vector<1000xf32>
    %reduce_sum3A_56 = vector.multi_reduction <add>, %integer_pow3A, %reduce_sum3A_55 [1] : vector<1000x128xf32> to vector<1000xf32>
    %broadcast_in_dim3A_57 = vector.shape_cast %reduce_sum3A_56 : vector<1000xf32> to vector<1000x1xf32>
    %div3A_58 = arith.constant 1.280000e+02 : f32
    %div3A_59 = vector.broadcast %div3A_58 : f32 to vector<1000x1xf32>
    %div3A_60 = arith.divf %broadcast_in_dim3A_57, %div3A_59 : vector<1000x1xf32>
    %sub3A_61 = vector.broadcast %div3A_52 : vector<1000x1xf32> to vector<1000x128xf32>
    %sub3A_62 = arith.subf %add3A_48, %sub3A_61 : vector<1000x128xf32>
    %add3A_63 = arith.constant 9.99999974E-6 : f32
    %add3A_64 = vector.broadcast %add3A_63 : f32 to vector<1000x1xf32>
    %add3A_65 = arith.addf %div3A_60, %add3A_64 : vector<1000x1xf32>
    %rsqrt3A = math.rsqrt %add3A_65 : vector<1000x1xf32>
    %mul3A = vector.broadcast %rsqrt3A : vector<1000x1xf32> to vector<1000x128xf32>
    %mul3A_66 = arith.mulf %sub3A_62, %mul3A : vector<1000x128xf32>
    %get3A_67 = arith.constant 0 : index
    %get3A_68 = arith.constant 0 : index
    %get3A_69 = vector.load %arg7[%get3A_67, %get3A_68] : memref<1x128xf32, #tpu.memory_space<vmem>>, vector<1x128xf32>
    %mul3A_70 = vector.broadcast %get3A_69 : vector<1x128xf32> to vector<1000x128xf32>
    %mul3A_71 = arith.mulf %mul3A_66, %mul3A_70 : vector<1000x128xf32>
    %get3A_72 = arith.constant 0 : index
    %get3A_73 = arith.constant 0 : index
    %get3A_74 = vector.load %arg8[%get3A_72, %get3A_73] : memref<1x128xf32, #tpu.memory_space<vmem>>, vector<1x128xf32>
    %add3A_75 = vector.broadcast %get3A_74 : vector<1x128xf32> to vector<1000x128xf32>
    %add3A_76 = arith.addf %mul3A_71, %add3A_75 : vector<1000x128xf32>
    %swap3A = arith.constant 0 : index
    %swap3A_77 = arith.constant 0 : index
    %swap3A_78 = vector.load %arg9[%swap3A, %swap3A_77] : memref<1000x128xf32, #tpu.memory_space<vmem>>, vector<1000x128xf32>
    tpu.vector_store %arg9[%swap3A, %swap3A_77], %add3A_76 {strides = array<i32>} : memref<1000x128xf32, #tpu.memory_space<vmem>>, vector<1000x128xf32>,
    return
  }
  func.func @transform_0(%arg0: i32) -> (i32, i32) {
    %c0_i32 = arith.constant 0 : i32
    %c0_i32_0 = arith.constant 0 : i32
    return %arg0, %c0_i32 : i32, i32
  }
  func.func @transform_1(%arg0: i32) -> (i32, i32) {
    %c0_i32 = arith.constant 0 : i32
    %c0_i32_0 = arith.constant 0 : i32
    return %arg0, %c0_i32 : i32, i32
  }
  func.func @transform_2(%arg0: i32) -> (i32, i32) {
    %c0_i32 = arith.constant 0 : i32
    %c0_i32_0 = arith.constant 0 : i32
    return %arg0, %c0_i32 : i32, i32
  }
  func.func @transform_3(%arg0: i32) -> (i32, i32) {
    %c0_i32 = arith.constant 0 : i32
    %c0_i32_0 = arith.constant 0 : i32
    return %arg0, %c0_i32 : i32, i32
  }
  func.func @transform_4(%arg0: i32) -> (i32, i32) {
    %c0_i32 = arith.constant 0 : i32
    %c0_i32_0 = arith.constant 0 : i32
    %c0_i32_1 = arith.constant 0 : i32
    return %c0_i32, %c0_i32_0 : i32, i32
  }
  func.func @transform_5(%arg0: i32) -> (i32, i32) {
    %c0_i32 = arith.constant 0 : i32
    %c0_i32_0 = arith.constant 0 : i32
    %c0_i32_1 = arith.constant 0 : i32
    return %c0_i32, %c0_i32_0 : i32, i32
  }
  func.func @transform_6(%arg0: i32) -> (i32, i32) {
    %c0_i32 = arith.constant 0 : i32
    %c0_i32_0 = arith.constant 0 : i32
    %c0_i32_1 = arith.constant 0 : i32
    return %c0_i32, %c0_i32_0 : i32, i32
  }
  func.func @transform_7(%arg0: i32) -> (i32, i32) {
    %c0_i32 = arith.constant 0 : i32
    %c0_i32_0 = arith.constant 0 : i32
    %c0_i32_1 = arith.constant 0 : i32
    return %c0_i32, %c0_i32_0 : i32, i32
  }
  func.func @transform_8(%arg0: i32) -> (i32, i32) {
    %c0_i32 = arith.constant 0 : i32
    %c0_i32_0 = arith.constant 0 : i32
    return %arg0, %c0_i32 : i32, i32
  }
}

</mosaic_0001>

<sc_bundles>
// kernel: kernel.10.cloned.1.call-start
scs
__scs_entry_jumppad:
0x0: {  	(pc) =	sbr.rel $0x88, $3  }
0x1: {  	(tag) =	ssettag $0x0;
	lr =	simm.s32 $0x1  }
0x2: {  	[smem:$0x3F91] =	sst lr;
	_ =	strace $0xD0000000  }
0x3: {  	_ = 	snop  }
0x4: {  	_ = 	snop  }
0x5: {  	_ = 	snop  }
0x6: {  	_ = 	snop  }
0x7: {  	_ = 	snop  }
__scs_overlays_trampoline_lowered:
0x8: {  	[smem:$0x3FA0] =	sst s0  }
0x9: {  	[smem:$0x3FA1] =	sst s1  }
0xa: {  	[smem:$0x3FA2] =	sst s2  }
0xb: {  	[smem:$0x3FA3] =	sst s3  }
0xc: {  	[smem:$0x3FA4] =	sst s4  }
0xd: {  	[smem:$0x3FA5] =	sst s5  }
0xe: {  	[smem:$0x3FA6] =	sst s6  }
0xf: {  	[smem:$0x3FA7] =	sst s7  }
0x10: {  	[smem:$0x3FA8] =	sst s8  }
0x11: {  	[smem:$0x3FA9] =	sst s9;
	s0 =	simm.s32 @!p0 $0x0  }
0x12: {  	s1 =	sld [smem:$0x3F8F];
	s0 =	simm.s32 @p0 $0x1  }
0x13: {  	[smem:$0x3FAA] =	sst s0;
	s0 =	simm.s32 @!p1 $0x0  }
0x14: {  	s2 =	sld [smem:$0x3F8E];
	s0 =	simm.s32 @p1 $0x1  }
0x15: {  	[smem:$0x3FAB] =	sst s0;
	s0 =	simm.s32 @!p2 $0x0  }
0x16: {  	s3 =	sld [smem:$0x3FDB];
	s0 =	simm.s32 @p2 $0x1  }
0x17: {  	s4 =	simm.s32 $0x1BF5;
	[smem:$0x3FAD] =	sst s0  }
0x18: {  	s0 =	sld [smem:$0x3F90];
	_ =	swait.ge [sflag:s4], $0x0  }
0x19: {  	s7 =	sld [smem:$0x3F91]  }
0x1a: {  	s8 =	sadd.s32 $0xFFFFE003, lr  }
0x1b: {  	s9 =	sadd.s32 $0xFFFFFEF7, lr;
	s5 =	simm.s32 $0xFFFFFFFF;
	p2 =	slt.u32 s8, $0xFFFFF086  }
0x1c: {  	p1 =	slt.u32 s9, $0xF7A;
	s5 =	simm.s32 @!p2 $0x0  }
0x1d: {  	s5 =	simm.s32 @p1 $0x1;
	p0 =	seq.s32 s7, s2  }
0x1e: {  	s7 =	smul.u32 @!p0 $0xF7A, s2;
	p2 =	seq.s32 @!p0 s5, $0x0  }
0x1f: {  	s9 =	smul.u32 $0xF7A, s1;
	s8 =	simm.s32 @!p0 $0x1BF5;
	p2 =	por !p2, p0  }
0x20: {  	[sflag:s8] =	ssyncset.s32 @!p0 $0xFFFFF086;
	s6 =	sadd.s32 @!p0 s3, s7;
	s7 =	simm.s32 @!p0 $0x108  }
0x21: {  	s3 =	sadd.s32 s3, s9;
	s6 =	sadd.s32 @!p0 $0x88, s6;
	s7 =	simm.s32 @p2 $0x1082  }
0x22: {  	[simem:s7], [sflag:s8] =	dma.local @!p0 [hbm:s6], $0xF7A  }
0x23: {  	s9 =	sor.u32 $0xD0000000, s2;
	s6 =	simm.s32 $0x108;
	_ =	swait.ge @!p0 [sflag:s8], $0x0  }
0x24: {  	s3 =	sadd.s32 $0x88, s3;
	s6 =	simm.s32 @!p1 $0x1082;
	[sflag:s4] =	ssyncset.s32 $0xFFFFF086  }
0x25: {  	[simem:s6], [sflag:s4] =	dma.local [hbm:s3], $0xF7A  }
0x26: {  	[smem:$0x3F91] =	sst s1;
	(tag) =	ssettag s2;
	_ =	strace s9  }
0x27: {  	s1 =	sld [smem:$0x3FA1]  }
0x28: {  	s2 =	sld [smem:$0x3FA2]  }
0x29: {  	s4 =	sld [smem:$0x3FA4]  }
0x2a: {  	p0 =	seq.s32 s5, $0x0;
	s5 =	sld [smem:$0x3FA5]  }
0x2b: {  	s6 =	sld [smem:$0x3FA6]  }
0x2c: {  	s7 =	sld [smem:$0x3FA7]  }
0x2d: {  	s3 =	simm.s32 $0x108;
	s8 =	sld [smem:$0x3FA8]  }
0x2e: {  	s3 =	simm.s32 @!p0 $0x1082;
	s9 =	sld [smem:$0x3FA9]  }
0x2f: {  	lr =	sadd.s32 s0, s3;
	s0 =	sld [smem:$0x3FA0]  }
0x30: {  	s3 =	sld [smem:$0x3FA3]  }
0x31: {  	[smem:$0x3FAC] =	sst s10  }
0x32: {  	s10 =	sld [smem:$0x3FAA];
	_ =	sdelay $0x3  }
0x33: {  	p0 =	seq.s32 s10, $0x1;
	s10 =	sld [smem:$0x3FAC];
	_ =	sdelay $0x3  }
0x34: {  	[smem:$0x3FAC] =	sst s10  }
0x35: {  	s10 =	sld [smem:$0x3FAB];
	_ =	sdelay $0x3  }
0x36: {  	p1 =	seq.s32 s10, $0x1;
	s10 =	sld [smem:$0x3FAC];
	_ =	sdelay $0x3  }
0x37: {  	[smem:$0x3FAC] =	sst s10  }
0x38: {  	s10 =	sld [smem:$0x3FAD]  }
0x39: {  	_ = 	snop;
	(pc) =	sbr.ind lr, $3  }
0x3a: {  	_ = 	snop  }
0x3b: {  	_ = 	snop  }
0x3c: {  	p2 =	seq.s32 s10, $0x1;
	s10 =	sld [smem:$0x3FAC]  }
0x3d: {  	_ =	shalt  }
0x3e: {  	_ =	shalt  }
0x3f: {  	_ =	shalt  }
0x40: {  	_ =	shalt  }
0x41: {  	_ =	shalt  }
0x42: {  	_ =	shalt  }
0x43: {  	_ =	shalt  }
0x44: {  	_ =	shalt  }
0x45: {  	_ =	shalt  }
0x46: {  	_ =	shalt  }
0x47: {  	_ =	shalt  }
0x48: {  	_ =	shalt  }
0x49: {  	_ =	shalt  }
0x4a: {  	_ =	shalt  }
0x4b: {  	_ =	shalt  }
0x4c: {  	_ =	shalt  }
0x4d: {  	_ =	shalt  }
0x4e: {  	_ =	shalt  }
0x4f: {  	_ =	shalt  }
0x50: {  	_ =	shalt  }
0x51: {  	_ =	shalt  }
0x52: {  	_ =	shalt  }
0x53: {  	_ =	shalt  }
0x54: {  	_ =	shalt  }
0x55: {  	_ =	shalt  }
0x56: {  	_ =	shalt  }
0x57: {  	_ =	shalt  }
0x58: {  	_ =	shalt  }
0x59: {  	_ =	shalt  }
0x5a: {  	_ =	shalt  }
0x5b: {  	_ =	shalt  }
0x5c: {  	_ =	shalt  }
0x5d: {  	_ =	shalt  }
0x5e: {  	_ =	shalt  }
0x5f: {  	_ =	shalt  }
0x60: {  	_ =	shalt  }
0x61: {  	_ =	shalt  }
0x62: {  	_ =	shalt  }
0x63: {  	_ =	shalt  }
0x64: {  	_ =	shalt  }
0x65: {  	_ =	shalt  }
0x66: {  	_ =	shalt  }
0x67: {  	_ =	shalt  }
0x68: {  	_ =	shalt  }
0x69: {  	_ =	shalt  }
0x6a: {  	_ =	shalt  }
0x6b: {  	_ =	shalt  }
0x6c: {  	_ =	shalt  }
0x6d: {  	_ =	shalt  }
0x6e: {  	_ =	shalt  }
0x6f: {  	_ =	shalt  }
0x70: {  	_ =	shalt  }
0x71: {  	_ =	shalt  }
0x72: {  	_ =	shalt  }
0x73: {  	_ =	shalt  }
0x74: {  	_ =	shalt  }
0x75: {  	_ =	shalt  }
0x76: {  	_ =	shalt  }
0x77: {  	_ =	shalt  }
0x78: {  	_ =	shalt  }
0x79: {  	_ =	shalt  }
0x7a: {  	_ =	shalt  }
0x7b: {  	_ =	shalt  }
0x7c: {  	_ =	shalt  }
0x7d: {  	_ =	shalt  }
0x7e: {  	_ =	shalt  }
0x7f: {  	_ =	shalt  }
0x80: {  	_ =	shalt  }
0x81: {  	_ =	shalt  }
0x82: {  	_ =	shalt  }
0x83: {  	_ =	shalt  }
0x84: {  	_ =	shalt  }
0x85: {  	_ =	shalt  }
0x86: {  	_ =	shalt  }
0x87: {  	_ =	shalt  }
.Lfunc_end0:
.L_simem_size_0:
called_computation.1_lowered:
.L_overlay_start_0:
0x88: {  	s2 =	sld [smem:$0x3FD9]  }
0x89: {  	s3 =	sld [smem:$0x3FFE];
	_ =	sdelay $0x1  }
0x8a: {  	s1 =	srdreg.scid  }
0x8b: {  	s0 =	sand.u32 $0x1, s1  }
0x8c: {  	s17 =	sshll.u32 s0, $0xA;
	s2 =	sadd.s32 s3, s2  }
0x8d: {  	s2 =	sadd.s32 s2, s17  }
0x8e: {  	[smem:$0x3FB8] =	sst s2  }
0x8f: {  	_ = 	snop  }
0x90: {  	s2 =	sld [smem:$0x3FC6]  }
0x91: {  	s18 =	sld [smem:$0x3FD0];
	(tm) =	ssettm $0x1  }
0x92: {  	s4 =	sld [smem:$0x3FFB];
	_ =	sdelay $0x3  }
0x93: {  	_ =	strace s4  }
0x94: {  	s4 =	sld [smem:$0x3FFC];
	_ =	sdelay $0x3  }
0x95: {  	_ =	strace s4  }
0x96: {  	s4 =	sld [smem:$0x3FFD];
	_ =	sdelay $0x3  }
0x97: {  	_ =	strace s4  }
0x98: {  	_ =	strace $0x8FFFFFFF  }
0x99: {  	s19 =	sld [smem:$0x3FDB];
	_ =	sdelay $0x1  }
0x9a: {  	s5 =	simm.s32 $_scs_section_size  }
0x9b: {  	s6 =	simm.s32 $_size__tile_overlayer_lowered;
	s7 =	simm.s32 $_tile_overlayer_lowered  }
0x9c: {  	s22 =	simm.s32 $0x1BFF;
	s21 =	sshll.u32 s7, $0x1;
	s4 =	sadd.s32 s5, s19  }
0x9d: {  	s8 =	simm.s32 $0x0;
	s20 =	sshll.u32 s6, $0x1;
	s6 =	sadd.s32 s21, s4  }
0x9e: {  	[timem:s8], [sflag:s22] =	dma.local [hbm:s6], s20  }
0x9f: {  	_ =	swait.ge [sflag:s22], s20  }
0xa0: {  	s5 =	ssub.s32 $0x0, s20;
	[sflag:s22] =	ssyncset.done $0x0  }
0xa1: {  	[sflag:s22] =	ssyncadd.s32 s5;
	_ =	sdelay $0x1  }
0xa2: {  	s23 =	simm.s32 $0x1B8B  }
0xa3: {  	_ =	swait.ge [sflag:s23], $0x1  }
0xa4: {  	[sflag:s23] =	ssyncset.done $0x0  }
0xa5: {  	s25 =	simm.s32 $0x1B8E;
	s24 =	sld [smem:$0x3FFE];
	[sflag:s23] =	ssyncadd.s32 $0xFFFFFFFF  }
0xa6: {  	s26 =	simm.s32 $execute0_lowered;
	[smem:$0x3FD2] =	sst s25  }
0xa7: {  	s6 =	sshll.u32 s26, $0x1;
	_ =	strace $0x80000049;
	[dreg:$0x1] =	wrdreg $0xFFFFFFFF  }
0xa8: {  	s28 =	simm.s32 $_size_execute0_lowered;
	s4 =	sadd.s32 s4, s6;
	[dreg:$0x0] =	wrdreg $0x0  }
0xa9: {  	s6 =	sshll.u32 s28, $0x1;
	[dreg:$0x2] =	wrdreg s4  }
0xaa: {  	[dreg:$0x3] =	wrdreg s6  }
0xab: {  	[dreg:$0x4] =	wrdreg $0xC0  }
0xac: {  	_ =	task [dreg:s8], $0x5FFFF  }
0xad: {  	[dreg:$0x1] =	wrdreg $0xFFFFFFFF  }
0xae: {  	[dreg:$0x0] =	wrdreg $0x60  }
0xaf: {  	[dreg:$0x2] =	wrdreg s24  }
0xb0: {  	[dreg:$0x3] =	wrdreg s2  }
0xb1: {  	[dreg:$0x4] =	wrdreg s18  }
0xb2: {  	[dreg:$0x5] =	wrdreg $0x0  }
0xb3: {  	[dreg:$0x6] =	wrdreg $0x138800  }
0xb4: {  	[dreg:$0x7] =	wrdreg $0x9  }
0xb5: {  	_ =	task.clear_ibuf [dreg:s8], $0x8FFFF;
	_ =	strace $0x90000049  }
0xb6: {  	s29 =	simm.s32 $0x9;
	_ =	strace $0x8000004B  }
0xb7: {  	_ =	swait.ge [sflag:s29], $0x1  }
0xb8: {  	[sflag:s29] =	ssyncadd.s32 $0xFFFFFFFF  }
0xb9: {  	_ =	strace $0x9000004B  }
0xba: {  	_ =	sfence  }
0xbb: {  	s30 =	sld [smem:$0x0];
	_ =	sdelay $0x2  }
0xbc: {  	s31 =	sshll.u32 s1, $0xD;
	s1 =	sshrl.u32 s1, $0x2  }
0xbd: {  	s3 =	sand.u32 $0x4000, s31;
	s1 =	sadd.s32 s1, s30  }
0xbe: {  	s0 =	sor.u32 s3, s0;
	s1 =	sshll.u32 s1, $0x11  }
0xbf: {  	s0 =	sor.u32 s1, s0  }
0xc0: {  	s0 =	sadd.s32 $0x8F2B, s0  }
0xc1: {  	[sflag:s0] =	ssyncadd.remote.s32 $0x1  }
0xc2: {  	_ =	sfence.sel $0xFFFF  }
0xc3: {  	[dreg:$0x0] =	wrdreg $0xFFFFFFFF;
	(pc) =	sbr.abs _section_cstart, $3  }
0xc4: {  	[dreg:$0x1] =	wrdreg $0xFFFFFFFF  }
0xc5: {  	_ =	task.clear_ibuf [dreg:s8], $0x2FFFF;
	_ =	strace $0x9FFFFFFF  }
0xc6: {  	(tm) =	ssettm $0x7FFFFFFF  }
0xc7: {  	_ =	shalt  }
tec
execute0_lowered:
.L_overlay_start_1:
0x0: {  	(tag) =	ssettag $0x1  }
0x1: {  	s0 =	rddreg [dreg:$0x0]  }
0x2: {  	s3 =	rddreg [dreg:$0x1]  }
0x3: {  	s7 =	rddreg [dreg:$0x2];
	s16 =	stileid.u32  }
0x4: {  	s1 =	rddreg [dreg:$0x3];
	s12 =	smul.u32 $0x2700, s16  }
0x5: {  	s4 =	srdreg.scid;
	s6 =	smul.u32 $0x280, s16  }
0x6: {  	s2 =	rddreg [dreg:$0x4];
	s14 =	smul.u32 $0x4E000, s16  }
0x7: {  	s28 =	simm.s32 $0x14D00;
	s29 =	simm.s32 $0x0;
	s17 =	smul.u32 $0x5000, s16  }
0x8: {  	s9 =	sand.u32 $0x1, s4;
	s4 =	simm.s32 $0x0;
	s23 =	smul.u32 $0x27100, s16  }
0x9: {  	p2 =	seq.s32 s16, $0xF;
	s22 =	sadd.s32 $0x2BA00, s0;
	s25 =	smul.u32 $0x2710, s16  }
0xa: {  	s5 =	smul.u32 $0x271000, s9;
	[smem:$0x7FF] =	sst s4;
	s8 =	ssub.s32 $0x2, s9  }
0xb: {  	p0 =	seq.s32 s9, $0x0;
	s24 =	smul.u32 $0x27100, s9;
	p3 =	sne.s32 s9, $0x0  }
0xc: {  	_ =	strace $0x8000004A;
	s13 =	sadd.s32 s12, s0;
	s10 =	sshrl.u32 s8, $0x1  }
0xd: {  	s15 =	sadd.s32 s6, s0;
	s19 =	sshrl.u32 s14, $0x2;
	p1 =	por !p0, !p2  }
0xe: {  	p0 =	seq.s32 s9, $0x1;
	[dreg:$0x8] =	wrdreg s22;
	s12 =	sadd.s32 s7, s12  }
0xf: {  	s7 =	sadd.s32 $0x27000, s7;
	s22 =	simm.s32 $0x14C80;
	s11 =	sadd.s32 s5, s0  }
0x10: {  	s5 =	sadd.s32 $0x2E400, s0;
	s18 =	ssub.s32 s8, s10;
	s6 =	sadd.s32 s19, s1  }
0x11: {  	s20 =	sadd.s32 $0x4A00, s13;
	s8 =	sshrl.u32 s17, $0x2;
	[dreg:$0x9] =	wrdreg s12  }
0x12: {  	s21 =	sadd.s32 $0x2BC00, s15;
	p1 =	por !p1, !p1;
	[dreg:$0xd] =	wrdreg s7  }
0x13: {  	s10 =	sadd.s32 $0x138000, s1;
	p2 =	por !p2, !p0;
	[dreg:$0x6] =	wrdreg s20  }
0x14: {  	s17 =	sadd.s32 $0x30C00, s15;
	s13 =	sadd.s32 $0x35C00, s13;
	[dreg:$0x7] =	wrdreg s21  }
0x15: {  	s15 =	sadd.s32 $0x33400, s15;
	s30 =	sadd.s32 s25, s24;
	[dreg:$0xa] =	wrdreg s17  }
0x16: {  	s24 =	simm.s32 $0x14D80;
	s25 =	simm.s32 $0x17580;
	[dreg:$0xb] =	wrdreg s13  }
0x17: {  	s8 =	sadd.s32 s8, s2;
	p2 =	por !p2, !p2;
	[dreg:$0xc] =	wrdreg s15  }
0x18: {  	s17 =	sadd.s32 $0x5CC00, s0;
	s18 =	smax.u32 s18, $0x1;
	s26 =	sadd.s32 s23, s11  }
0x19: {  	s31 =	sshrl.u32 s30, $0x3;
	s23 =	simm.s32 $0x1;
	s19 =	sadd.s32 $0xA16E00, s26  }
0x1a: {  	s20 =	sadd.s32 $0xEF8E00, s26;
	s14 =	sadd.s32 s31, s3;
	s26 =	simm.s32 $0x50  }
.LBB2_1:
0x1b: {  	s9 =	stileid.u32  }
0x1c: {  	s0 =	sshll.u32 @!p3 s9, $0x6  }
0x1d: {  	s3 =	rddreg [dreg:$0x6];
	s30 =	sor.u32 @!p3 $0x1C01, s0;
	s0 =	sshrl.u32 @!p3 s6, $0x3  }
0x1e: {  	[spmem:s0], [sflag:s30] =	dma.local @!p3 [hbm:s3], $0x2700  }
0x1f: {  	s3 =	simm.s32 @!p3 $0x1  }
0x20: {  	_ =	swait.ge @!p3 [sflag:s3], $0x2700  }
0x21: {  	[sflag:s3] =	ssyncset.done @!p3 $0x0  }
0x22: {  	s7 =	sshrl.u32 @!p3 s8, $0x3;
	s11 =	rddreg [dreg:$0x7];
	[sflag:s3] =	ssyncadd.s32 @!p3 $0xFFFFD900  }
0x23: {  	[spmem:s7], [sflag:s30] =	dma.local @!p3 [hbm:s11], $0x280  }
0x24: {  	s9 =	sshll.u32 @p0 s9, $0x6;
	_ =	swait.ge @!p3 [sflag:s3], $0x280  }
0x25: {  	s31 =	sor.u32 @p0 $0x1C01, s9;
	[sflag:s3] =	ssyncset.done @!p3 $0x0  }
0x26: {  	s9 =	sshrl.u32 @p0 s6, $0x3;
	s11 =	simm.s32 @p0 $0x1;
	[sflag:s3] =	ssyncadd.s32 @!p3 $0xFFFFFD80  }
0x27: {  	[spmem:s9], [sflag:s31] =	dma.local @p0 [hbm:s5], $0x2700  }
0x28: {  	_ =	swait.ge @p0 [sflag:s11], $0x2700  }
0x29: {  	[sflag:s11] =	ssyncset.done @p0 $0x0  }
0x2a: {  	s3 =	sshrl.u32 @p0 s8, $0x3;
	[sflag:s11] =	ssyncadd.s32 @p0 $0xFFFFD900  }
0x2b: {  	[spmem:s3], [sflag:s31] =	dma.local @p0 [hbm:s5], $0x280  }
0x2c: {  	_ =	swait.ge @p0 [sflag:s11], $0x280  }
0x2d: {  	s12 =	simm.s32 @p1 $0x1FC1;
	[sflag:s11] =	ssyncset.done @p0 $0x0  }
0x2e: {  	s13 =	rddreg [dreg:$0x8];
	[sflag:s11] =	ssyncadd.s32 @p0 $0xFFFFFD80;
	s11 =	sshrl.u32 @p1 s10, $0x3  }
0x2f: {  	[spmem:s11], [sflag:s12] =	dma.local @p1 [hbm:s13], $0x100  }
0x30: {  	s12 =	simm.s32 @p1 $0x1  }
0x31: {  	_ =	swait.ge @p1 [sflag:s12], $0x100  }
0x32: {  	[sflag:s12] =	ssyncset.done @p1 $0x0  }
0x33: {  	s13 =	simm.s32 @p2 $0x1FC1;
	[sflag:s12] =	ssyncadd.s32 @p1 $0xFFFFFF00;
	s12 =	sshrl.u32 @p2 s10, $0x3  }
0x34: {  	[spmem:s12], [sflag:s13] =	dma.local @p2 [hbm:s5], $0x100  }
0x35: {  	s13 =	simm.s32 @p2 $0x1  }
0x36: {  	_ =	swait.ge @p2 [sflag:s13], $0x100  }
0x37: {  	[sflag:s13] =	ssyncset.done @p2 $0x0  }
0x38: {  	[sflag:s13] =	ssyncadd.s32 @p2 $0xFFFFFF00  }
0x39: {  	[bflag:$0x0] =	sbarrier.arrive $0xFFFF  }
0x3a: {  	[tilespmem:s22], [sflag:$0x1] =	stream.linear.gather [hbm4b:s14+s4], $0x50, $0x38;
	[tilespmem:$0x19D80] =	vst v63  }
0x3b: {  	_ =	swait.ge [sflag:s23], $0x50  }
0x3c: {  	[sflag:s23] =	ssyncset.done $0x0  }
0x3d: {  	s16 =	sadd.s32 $0x0, s19;
	[sflag:s23] =	ssyncadd.s32 $0xFFFFFFB0  }
0x3e: {  	[tilespmem:s24], [sflag:$0x1] =	stream.linear.gather [hbm4b:s16+s4], $0x2800, $0x38;
	[tilespmem:$0x19D80] =	vst v63  }
0x3f: {  	_ =	swait.ge [sflag:s23], $0x2800  }
0x40: {  	[sflag:s23] =	ssyncset.done $0x0  }
0x41: {  	s21 =	sadd.s32 $0x0, s20;
	[sflag:s23] =	ssyncadd.s32 $0xFFFFD800  }
0x42: {  	[tilespmem:s25], [sflag:$0x1] =	stream.linear.gather [hbm4b:s21+s4], $0x2800, $0x38;
	[tilespmem:$0x19D80] =	vst v63  }
0x43: {  	_ =	swait.ge [sflag:s23], $0x2800  }
0x44: {  	[sflag:s23] =	ssyncset.done $0x0  }
0x45: {  	[sflag:s23] =	ssyncadd.s32 $0xFFFFD800  }
0x46: {  	v0 =	vld [tilespmem:$0x14CC0]  }
0x47: {  	v1 =	vld [tilespmem:$0x14CA0]  }
0x48: {  	v2 =	vld [tilespmem:$0x14CB0]  }
0x49: {  	v3 =	vld [tilespmem:$0x14C90]  }
0x4a: {  	v4 =	vld [tilespmem:$0x14C80]  }
0x4b: {  	v0 =	vshrl.u32 v0, $0x4  }
0x4c: {  	v1 =	vshrl.u32 v1, $0x4;
	[tilespmem:$0x14D40] =	vst v0  }
0x4d: {  	v61 =	vshrl.u32 v2, $0x4;
	[tilespmem:$0x14D20] =	vst v1  }
0x4e: {  	v62 =	vshrl.u32 v3, $0x4;
	[tilespmem:$0x14D30] =	vst v61  }
0x4f: {  	v63 =	vshrl.u32 v4, $0x4;
	[tilespmem:$0x14D10] =	vst v62  }
0x50: {  	[tilespmem:$0x14D00] =	vst v63  }
0x51: {  	[spmem:s1] =	stream.indirect.scatter.add.f32 [tilespmem:s24], [sflag:$0x1], $0x80, s22, s26, $0xb8;
	[tilespmem:$0x19D80] =	vst v63  }
0x52: {  	_ =	swait.ge [sflag:s23], $0x2800  }
0x53: {  	s13 =	simm.s32 $0x500;
	s21 =	smov.u32 s14;
	[sflag:s23] =	ssyncset.done $0x0  }
.LBB2_2:
0x54: {  	p4 =	sne.s32 s13, $0x26C00;
	[sflag:s23] =	ssyncadd.s32 $0xFFFFD800;
	s21 =	sadd.s32 $0xA, s21  }
0x55: {  	[spmem:s2] =	stream.indirect.scatter.add.f32 [tilespmem:s25], [sflag:$0x1], $0x80, s28, s26, $0xb8;
	[tilespmem:$0x19D80] =	vst v63  }
0x56: {  	s15 =	smov.u32 s13;
	s13 =	sadd.s32 $0x500, s13;
	_ =	swait.ge [sflag:s23], $0x2800  }
0x57: {  	[sflag:s23] =	ssyncset.done $0x0  }
0x58: {  	[sflag:s23] =	ssyncadd.s32 $0xFFFFD800  }
0x59: {  	[tilespmem:s22], [sflag:$0x1] =	stream.linear.gather [hbm4b:s21+s4], $0x50, $0x38;
	[tilespmem:$0x19D80] =	vst v63  }
0x5a: {  	_ =	swait.ge [sflag:s23], $0x50  }
0x5b: {  	[sflag:s23] =	ssyncset.done $0x0  }
0x5c: {  	s16 =	sadd.s32 s15, s19;
	[sflag:s23] =	ssyncadd.s32 $0xFFFFFFB0  }
0x5d: {  	[tilespmem:s24], [sflag:$0x1] =	stream.linear.gather [hbm4b:s16+s4], $0x2800, $0x38;
	[tilespmem:$0x19D80] =	vst v63  }
0x5e: {  	_ =	swait.ge [sflag:s23], $0x2800  }
0x5f: {  	[sflag:s23] =	ssyncset.done $0x0  }
0x60: {  	s15 =	sadd.s32 s15, s20;
	[sflag:s23] =	ssyncadd.s32 $0xFFFFD800  }
0x61: {  	[tilespmem:s25], [sflag:$0x1] =	stream.linear.gather [hbm4b:s15+s4], $0x2800, $0x38;
	[tilespmem:$0x19D80] =	vst v63  }
0x62: {  	_ =	swait.ge [sflag:s23], $0x2800  }
0x63: {  	[sflag:s23] =	ssyncset.done $0x0  }
0x64: {  	[sflag:s23] =	ssyncadd.s32 $0xFFFFD800  }
0x65: {  	v0 =	vld [tilespmem:$0x14CC0]  }
0x66: {  	v1 =	vld [tilespmem:$0x14CA0]  }
0x67: {  	v2 =	vld [tilespmem:$0x14CB0]  }
0x68: {  	v3 =	vld [tilespmem:$0x14C90]  }
0x69: {  	v4 =	vld [tilespmem:$0x14C80]  }
0x6a: {  	v0 =	vshrl.u32 v0, $0x4  }
0x6b: {  	v1 =	vshrl.u32 v1, $0x4;
	[tilespmem:$0x14D40] =	vst v0  }
0x6c: {  	[tilespmem:$0x14D20] =	vst v1;
	v0 =	vshrl.u32 v2, $0x4  }
0x6d: {  	v1 =	vshrl.u32 v3, $0x4;
	[tilespmem:$0x14D30] =	vst v0  }
.Ltmp0:
0x6e: {  	v0 =	vshrl.u32 v4, $0x4;
	[tilespmem:$0x14D10] =	vst v1;
	(pc) =	sbr.rel @p4 .LBB2_2-.Ltmp0, $4  }
0x6f: {  	[tilespmem:$0x14D00] =	vst v0  }
0x70: {  	[spmem:s1] =	stream.indirect.scatter.add.f32 [tilespmem:s24], [sflag:$0x1], $0x80, s22, s26, $0xb8;
	[tilespmem:$0x19D80] =	vst v63  }
0x71: {  	_ =	swait.ge [sflag:s23], $0x2800  }
0x72: {  	[sflag:s23] =	ssyncset.done $0x0  }
0x73: {  	[sflag:s23] =	ssyncadd.s32 $0xFFFFD800  }
0x74: {  	[spmem:s2] =	stream.indirect.scatter.add.f32 [tilespmem:s25], [sflag:$0x1], $0x80, s28, s26, $0xb8;
	[tilespmem:$0x19D80] =	vst v63  }
0x75: {  	_ =	swait.ge [sflag:s23], $0x2800  }
0x76: {  	[sflag:s23] =	ssyncset.done $0x0  }
0x77: {  	[sflag:s23] =	ssyncadd.s32 $0xFFFFD800  }
0x78: {  	[bflag:$0x0] =	sbarrier.arrive $0xFFFF  }
0x79: {  	s13 =	rddreg [dreg:$0x9]  }
0x7a: {  	[hbm:s13], [sflag:s30] =	dma.local @!p3 [spmem:s0], $0x2700  }
0x7b: {  	s0 =	simm.s32 @!p3 $0x1  }
0x7c: {  	_ =	swait.ge @!p3 [sflag:s0], $0x2700  }
0x7d: {  	[sflag:s0] =	ssyncset.done @!p3 $0x0  }
0x7e: {  	s13 =	rddreg [dreg:$0xa];
	[sflag:s0] =	ssyncadd.s32 @!p3 $0xFFFFD900  }
0x7f: {  	[hbm:s13], [sflag:s30] =	dma.local @!p3 [spmem:s7], $0x280  }
0x80: {  	_ =	swait.ge @!p3 [sflag:s0], $0x280  }
0x81: {  	[sflag:s0] =	ssyncset.done @!p3 $0x0  }
0x82: {  	[sflag:s0] =	ssyncadd.s32 @!p3 $0xFFFFFD80;
	s0 =	rddreg [dreg:$0xb]  }
0x83: {  	[hbm:s0], [sflag:s31] =	dma.local @p0 [spmem:s9], $0x2700  }
0x84: {  	s0 =	simm.s32 @p0 $0x1  }
0x85: {  	_ =	swait.ge @p0 [sflag:s0], $0x2700  }
0x86: {  	[sflag:s0] =	ssyncset.done @p0 $0x0  }
0x87: {  	s7 =	rddreg [dreg:$0xc];
	[sflag:s0] =	ssyncadd.s32 @p0 $0xFFFFD900  }
0x88: {  	[hbm:s7], [sflag:s31] =	dma.local @p0 [spmem:s3], $0x280  }
0x89: {  	_ =	swait.ge @p0 [sflag:s0], $0x280  }
0x8a: {  	[sflag:s0] =	ssyncset.done @p0 $0x0  }
0x8b: {  	s3 =	rddreg [dreg:$0xd];
	[sflag:s0] =	ssyncadd.s32 @p0 $0xFFFFFD80;
	s0 =	simm.s32 @p1 $0x1FC1  }
0x8c: {  	[hbm:s3], [sflag:s0] =	dma.local @p1 [spmem:s11], $0x100  }
0x8d: {  	s0 =	simm.s32 @p1 $0x1  }
0x8e: {  	_ =	swait.ge @p1 [sflag:s0], $0x100  }
0x8f: {  	s29 =	sadd.s32 $0x1, s29;
	[sflag:s0] =	ssyncset.done @p1 $0x0  }
0x90: {  	p4 =	sne.s32 s29, s18;
	[sflag:s0] =	ssyncadd.s32 @p1 $0xFFFFFF00;
	s0 =	simm.s32 @p2 $0x1FC1  }
0x91: {  	[hbm:s17], [sflag:s0] =	dma.local @p2 [spmem:s12], $0x100  }
.Ltmp1:
0x92: {  	_ = 	snop;
	(pc) =	sbr.rel @p4 .LBB2_1-.Ltmp1, $4  }
0x93: {  	s0 =	simm.s32 @p2 $0x1  }
0x94: {  	_ =	swait.ge @p2 [sflag:s0], $0x100  }
0x95: {  	[sflag:s0] =	ssyncset.done @p2 $0x0  }
0x96: {  	[sflag:s0] =	ssyncadd.s32 @p2 $0xFFFFFF00  }
0x97: {  	_ =	sfence.sel $0x180000  }
0x98: {  	[bflag:$0x0] =	sbarrier.arrive $0xFFFF  }
0x99: {  	_ =	strace $0x9000004A  }
0x9a: {  	s0 =	stileid.u32;
	[bflag:$0x2] =	sbarrier.arrive $0xFFFF  }
0x9b: {  	p0 =	sne.s32 s0, $0x0;
	s0 =	rddreg [dreg:$0x5]  }
0x9c: {  	s0 =	sadd.s32 @!p0 $0x100000, s0  }
0x9d: {  	[sflag:s0] =	ssyncadd.tile.s32 @!p0 $0x1;
	_ =	shalt  }
.Lfunc_end2:
_tile_overlayer_lowered:
.L_overlay_start_2:
0x9e: {  	(tag) =	ssettag $0x2  }
0x9f: {  	s0 =	rddreg [dreg:$0x0];
	s2 =	stileid.u32  }
0xa0: {  	s1 =	rddreg [dreg:$0x1];
	p0 =	sne.s32 s2, $0x0  }
0xa1: {  	s3 =	rddreg [dreg:$0x2];
	[bflag:$0x3] =	sbarrier.arrive $0xFFFF;
	s2 =	simm.s32 @!p0 $0x1C01  }
0xa2: {  	[timem:s3], [sflag:s2] =	dma.local @!p0 [hbm:s0], s1  }
0xa3: {  	s0 =	simm.s32 @!p0 $0x1  }
0xa4: {  	_ =	swait.ge @!p0 [sflag:s0], s1  }
0xa5: {  	s1 =	ssub.s32 @!p0 $0x0, s1;
	[sflag:s0] =	ssyncset.done @!p0 $0x0  }
0xa6: {  	[sflag:s0] =	ssyncadd.s32 @!p0 s1  }
0xa7: {  	[bflag:$0x3] =	sbarrier.arrive $0xFFFF  }
0xa8: {  	_ =	shalt  }

// kernel: kernel.7.cloned.1.call-start
scs
__scs_entry_jumppad:
0x0: {  	(pc) =	sbr.rel $0x88, $3  }
0x1: {  	(tag) =	ssettag $0x0;
	lr =	simm.s32 $0x1  }
0x2: {  	[smem:$0x3F91] =	sst lr;
	_ =	strace $0xD0000000  }
0x3: {  	_ = 	snop  }
0x4: {  	_ = 	snop  }
0x5: {  	_ = 	snop  }
0x6: {  	_ = 	snop  }
0x7: {  	_ = 	snop  }
__scs_overlays_trampoline_lowered:
0x8: {  	[smem:$0x3FA0] =	sst s0  }
0x9: {  	[smem:$0x3FA1] =	sst s1  }
0xa: {  	[smem:$0x3FA2] =	sst s2  }
0xb: {  	[smem:$0x3FA3] =	sst s3  }
0xc: {  	[smem:$0x3FA4] =	sst s4  }
0xd: {  	[smem:$0x3FA5] =	sst s5  }
0xe: {  	[smem:$0x3FA6] =	sst s6  }
0xf: {  	[smem:$0x3FA7] =	sst s7  }
0x10: {  	[smem:$0x3FA8] =	sst s8  }
0x11: {  	[smem:$0x3FA9] =	sst s9;
	s0 =	simm.s32 @!p0 $0x0  }
0x12: {  	s1 =	sld [smem:$0x3F8F];
	s0 =	simm.s32 @p0 $0x1  }
0x13: {  	[smem:$0x3FAA] =	sst s0;
	s0 =	simm.s32 @!p1 $0x0  }
0x14: {  	s2 =	sld [smem:$0x3F8E];
	s0 =	simm.s32 @p1 $0x1  }
0x15: {  	[smem:$0x3FAB] =	sst s0;
	s0 =	simm.s32 @!p2 $0x0  }
0x16: {  	s3 =	sld [smem:$0x3FDB];
	s0 =	simm.s32 @p2 $0x1  }
0x17: {  	s4 =	simm.s32 $0x1BF5;
	[smem:$0x3FAD] =	sst s0  }
0x18: {  	s0 =	sld [smem:$0x3F90];
	_ =	swait.ge [sflag:s4], $0x0  }
0x19: {  	s7 =	sld [smem:$0x3F91]  }
0x1a: {  	s8 =	sadd.s32 $0xFFFFE003, lr  }
0x1b: {  	s9 =	sadd.s32 $0xFFFFFEF7, lr;
	s5 =	simm.s32 $0xFFFFFFFF;
	p2 =	slt.u32 s8, $0xFFFFF086  }
0x1c: {  	p1 =	slt.u32 s9, $0xF7A;
	s5 =	simm.s32 @!p2 $0x0  }
0x1d: {  	s5 =	simm.s32 @p1 $0x1;
	p0 =	seq.s32 s7, s2  }
0x1e: {  	s7 =	smul.u32 @!p0 $0xF7A, s2;
	p2 =	seq.s32 @!p0 s5, $0x0  }
0x1f: {  	s9 =	smul.u32 $0xF7A, s1;
	s8 =	simm.s32 @!p0 $0x1BF5;
	p2 =	por !p2, p0  }
0x20: {  	[sflag:s8] =	ssyncset.s32 @!p0 $0xFFFFF086;
	s6 =	sadd.s32 @!p0 s3, s7;
	s7 =	simm.s32 @!p0 $0x108  }
0x21: {  	s3 =	sadd.s32 s3, s9;
	s6 =	sadd.s32 @!p0 $0x88, s6;
	s7 =	simm.s32 @p2 $0x1082  }
0x22: {  	[simem:s7], [sflag:s8] =	dma.local @!p0 [hbm:s6], $0xF7A  }
0x23: {  	s9 =	sor.u32 $0xD0000000, s2;
	s6 =	simm.s32 $0x108;
	_ =	swait.ge @!p0 [sflag:s8], $0x0  }
0x24: {  	s3 =	sadd.s32 $0x88, s3;
	s6 =	simm.s32 @!p1 $0x1082;
	[sflag:s4] =	ssyncset.s32 $0xFFFFF086  }
0x25: {  	[simem:s6], [sflag:s4] =	dma.local [hbm:s3], $0xF7A  }
0x26: {  	[smem:$0x3F91] =	sst s1;
	(tag) =	ssettag s2;
	_ =	strace s9  }
0x27: {  	s1 =	sld [smem:$0x3FA1]  }
0x28: {  	s2 =	sld [smem:$0x3FA2]  }
0x29: {  	s4 =	sld [smem:$0x3FA4]  }
0x2a: {  	p0 =	seq.s32 s5, $0x0;
	s5 =	sld [smem:$0x3FA5]  }
0x2b: {  	s6 =	sld [smem:$0x3FA6]  }
0x2c: {  	s7 =	sld [smem:$0x3FA7]  }
0x2d: {  	s3 =	simm.s32 $0x108;
	s8 =	sld [smem:$0x3FA8]  }
0x2e: {  	s3 =	simm.s32 @!p0 $0x1082;
	s9 =	sld [smem:$0x3FA9]  }
0x2f: {  	lr =	sadd.s32 s0, s3;
	s0 =	sld [smem:$0x3FA0]  }
0x30: {  	s3 =	sld [smem:$0x3FA3]  }
0x31: {  	[smem:$0x3FAC] =	sst s10  }
0x32: {  	s10 =	sld [smem:$0x3FAA];
	_ =	sdelay $0x3  }
0x33: {  	p0 =	seq.s32 s10, $0x1;
	s10 =	sld [smem:$0x3FAC];
	_ =	sdelay $0x3  }
0x34: {  	[smem:$0x3FAC] =	sst s10  }
0x35: {  	s10 =	sld [smem:$0x3FAB];
	_ =	sdelay $0x3  }
0x36: {  	p1 =	seq.s32 s10, $0x1;
	s10 =	sld [smem:$0x3FAC];
	_ =	sdelay $0x3  }
0x37: {  	[smem:$0x3FAC] =	sst s10  }
0x38: {  	s10 =	sld [smem:$0x3FAD]  }
0x39: {  	_ = 	snop;
	(pc) =	sbr.ind lr, $3  }
0x3a: {  	_ = 	snop  }
0x3b: {  	_ = 	snop  }
0x3c: {  	p2 =	seq.s32 s10, $0x1;
	s10 =	sld [smem:$0x3FAC]  }
0x3d: {  	_ =	shalt  }
0x3e: {  	_ =	shalt  }
0x3f: {  	_ =	shalt  }
0x40: {  	_ =	shalt  }
0x41: {  	_ =	shalt  }
0x42: {  	_ =	shalt  }
0x43: {  	_ =	shalt  }
0x44: {  	_ =	shalt  }
0x45: {  	_ =	shalt  }
0x46: {  	_ =	shalt  }
0x47: {  	_ =	shalt  }
0x48: {  	_ =	shalt  }
0x49: {  	_ =	shalt  }
0x4a: {  	_ =	shalt  }
0x4b: {  	_ =	shalt  }
0x4c: {  	_ =	shalt  }
0x4d: {  	_ =	shalt  }
0x4e: {  	_ =	shalt  }
0x4f: {  	_ =	shalt  }
0x50: {  	_ =	shalt  }
0x51: {  	_ =	shalt  }
0x52: {  	_ =	shalt  }
0x53: {  	_ =	shalt  }
0x54: {  	_ =	shalt  }
0x55: {  	_ =	shalt  }
0x56: {  	_ =	shalt  }
0x57: {  	_ =	shalt  }
0x58: {  	_ =	shalt  }
0x59: {  	_ =	shalt  }
0x5a: {  	_ =	shalt  }
0x5b: {  	_ =	shalt  }
0x5c: {  	_ =	shalt  }
0x5d: {  	_ =	shalt  }
0x5e: {  	_ =	shalt  }
0x5f: {  	_ =	shalt  }
0x60: {  	_ =	shalt  }
0x61: {  	_ =	shalt  }
0x62: {  	_ =	shalt  }
0x63: {  	_ =	shalt  }
0x64: {  	_ =	shalt  }
0x65: {  	_ =	shalt  }
0x66: {  	_ =	shalt  }
0x67: {  	_ =	shalt  }
0x68: {  	_ =	shalt  }
0x69: {  	_ =	shalt  }
0x6a: {  	_ =	shalt  }
0x6b: {  	_ =	shalt  }
0x6c: {  	_ =	shalt  }
0x6d: {  	_ =	shalt  }
0x6e: {  	_ =	shalt  }
0x6f: {  	_ =	shalt  }
0x70: {  	_ =	shalt  }
0x71: {  	_ =	shalt  }
0x72: {  	_ =	shalt  }
0x73: {  	_ =	shalt  }
0x74: {  	_ =	shalt  }
0x75: {  	_ =	shalt  }
0x76: {  	_ =	shalt  }
0x77: {  	_ =	shalt  }
0x78: {  	_ =	shalt  }
0x79: {  	_ =	shalt  }
0x7a: {  	_ =	shalt  }
0x7b: {  	_ =	shalt  }
0x7c: {  	_ =	shalt  }
0x7d: {  	_ =	shalt  }
0x7e: {  	_ =	shalt  }
0x7f: {  	_ =	shalt  }
0x80: {  	_ =	shalt  }
0x81: {  	_ =	shalt  }
0x82: {  	_ =	shalt  }
0x83: {  	_ =	shalt  }
0x84: {  	_ =	shalt  }
0x85: {  	_ =	shalt  }
0x86: {  	_ =	shalt  }
0x87: {  	_ =	shalt  }
.Lfunc_end0:
.L_simem_size_0:
called_computation_lowered:
.L_overlay_start_0:
0x88: {  	s2 =	sld [smem:$0x3FD9]  }
0x89: {  	s3 =	sld [smem:$0x3FFE];
	_ =	sdelay $0x1  }
0x8a: {  	s1 =	srdreg.scid  }
0x8b: {  	s0 =	sand.u32 $0x1, s1  }
0x8c: {  	s17 =	sshll.u32 s0, $0xA;
	s2 =	sadd.s32 s3, s2  }
0x8d: {  	s2 =	sadd.s32 s2, s17  }
0x8e: {  	[smem:$0x3FB8] =	sst s2  }
0x8f: {  	_ = 	snop  }
0x90: {  	s2 =	sld [smem:$0x3FC6]  }
0x91: {  	s18 =	sld [smem:$0x3FD0];
	(tm) =	ssettm $0x1  }
0x92: {  	s4 =	sld [smem:$0x3FFB];
	_ =	sdelay $0x3  }
0x93: {  	_ =	strace s4  }
0x94: {  	s4 =	sld [smem:$0x3FFC];
	_ =	sdelay $0x3  }
0x95: {  	_ =	strace s4  }
0x96: {  	s4 =	sld [smem:$0x3FFD];
	_ =	sdelay $0x3  }
0x97: {  	_ =	strace s4  }
0x98: {  	_ =	strace $0x8FFFFFFF  }
0x99: {  	s19 =	sld [smem:$0x3FDB];
	_ =	sdelay $0x1  }
0x9a: {  	s5 =	simm.s32 $_scs_section_size  }
0x9b: {  	s6 =	simm.s32 $_size__tile_overlayer_lowered;
	s7 =	simm.s32 $_tile_overlayer_lowered  }
0x9c: {  	s22 =	simm.s32 $0x1BFF;
	s21 =	sshll.u32 s7, $0x1;
	s4 =	sadd.s32 s5, s19  }
0x9d: {  	s8 =	simm.s32 $0x0;
	s20 =	sshll.u32 s6, $0x1;
	s6 =	sadd.s32 s21, s4  }
0x9e: {  	[timem:s8], [sflag:s22] =	dma.local [hbm:s6], s20  }
0x9f: {  	_ =	swait.ge [sflag:s22], s20  }
0xa0: {  	s5 =	ssub.s32 $0x0, s20;
	[sflag:s22] =	ssyncset.done $0x0  }
0xa1: {  	[sflag:s22] =	ssyncadd.s32 s5;
	_ =	sdelay $0x1  }
0xa2: {  	s23 =	simm.s32 $0x1B8B  }
0xa3: {  	_ =	swait.ge [sflag:s23], $0x1  }
0xa4: {  	[sflag:s23] =	ssyncset.done $0x0  }
0xa5: {  	s25 =	simm.s32 $0x1B8E;
	s24 =	sld [smem:$0x3FFE];
	[sflag:s23] =	ssyncadd.s32 $0xFFFFFFFF  }
0xa6: {  	s26 =	simm.s32 $execute0_lowered;
	[smem:$0x3FD2] =	sst s25  }
0xa7: {  	s6 =	sshll.u32 s26, $0x1;
	_ =	strace $0x80000046;
	[dreg:$0x1] =	wrdreg $0xFFFFFFFF  }
0xa8: {  	s28 =	simm.s32 $_size_execute0_lowered;
	s4 =	sadd.s32 s4, s6;
	[dreg:$0x0] =	wrdreg $0x0  }
0xa9: {  	s6 =	sshll.u32 s28, $0x1;
	[dreg:$0x2] =	wrdreg s4  }
0xaa: {  	[dreg:$0x3] =	wrdreg s6  }
0xab: {  	[dreg:$0x4] =	wrdreg $0xC0  }
0xac: {  	_ =	task [dreg:s8], $0x5FFFF  }
0xad: {  	[dreg:$0x1] =	wrdreg $0xFFFFFFFF  }
0xae: {  	[dreg:$0x0] =	wrdreg $0x60  }
0xaf: {  	[dreg:$0x2] =	wrdreg s18  }
0xb0: {  	[dreg:$0x3] =	wrdreg s2  }
0xb1: {  	[dreg:$0x4] =	wrdreg s24  }
0xb2: {  	[dreg:$0x5] =	wrdreg $0x9  }
0xb3: {  	_ =	task.clear_ibuf [dreg:s8], $0x6FFFF;
	_ =	strace $0x90000046  }
0xb4: {  	s29 =	simm.s32 $0x9;
	_ =	strace $0x80000048  }
0xb5: {  	_ =	swait.ge [sflag:s29], $0x1  }
0xb6: {  	[sflag:s29] =	ssyncadd.s32 $0xFFFFFFFF  }
0xb7: {  	_ =	strace $0x90000048  }
0xb8: {  	_ =	sfence  }
0xb9: {  	s30 =	sld [smem:$0x0];
	_ =	sdelay $0x2  }
0xba: {  	s31 =	sshll.u32 s1, $0xD;
	s1 =	sshrl.u32 s1, $0x2  }
0xbb: {  	s3 =	sand.u32 $0x4000, s31;
	s1 =	sadd.s32 s1, s30  }
0xbc: {  	s0 =	sor.u32 s3, s0;
	s1 =	sshll.u32 s1, $0x11  }
0xbd: {  	s0 =	sor.u32 s1, s0  }
0xbe: {  	s0 =	sadd.s32 $0x8F2B, s0  }
0xbf: {  	[sflag:s0] =	ssyncadd.remote.s32 $0x1  }
0xc0: {  	_ =	sfence.sel $0xFFFF  }
0xc1: {  	[dreg:$0x0] =	wrdreg $0xFFFFFFFF;
	(pc) =	sbr.abs _section_cstart, $3  }
0xc2: {  	[dreg:$0x1] =	wrdreg $0xFFFFFFFF  }
0xc3: {  	_ =	task.clear_ibuf [dreg:s8], $0x2FFFF;
	_ =	strace $0x9FFFFFFF  }
0xc4: {  	(tm) =	ssettm $0x7FFFFFFF  }
0xc5: {  	_ =	shalt  }
tec
execute0_lowered:
.L_overlay_start_1:
0x0: {  	(tag) =	ssettag $0x1  }
0x1: {  	s2 =	rddreg [dreg:$0x0]  }
0x2: {  	s6 =	rddreg [dreg:$0x1]  }
0x3: {  	s4 =	rddreg [dreg:$0x2]  }
0x4: {  	s0 =	rddreg [dreg:$0x3];
	s1 =	stileid.u32  }
0x5: {  	s7 =	srdreg.scid;
	s5 =	smul.u32 $0x4E200, s1  }
0x6: {  	s3 =	simm.s32 $0x0;
	s7 =	sand.u32 $0x1, s7;
	s8 =	smul.u32 $0x4E20, s1  }
0x7: {  	[smem:$0x7FF] =	sst s3;
	s9 =	ssub.s32 $0x2, s7;
	s10 =	smul.u32 $0x2710, s7  }
0x8: {  	s7 =	smul.u32 $0x27100, s7;
	_ =	strace $0x80000047;
	s30 =	sshrl.u32 s9, $0x1  }
0x9: {  	s5 =	sadd.s32 s5, s4;
	s4 =	ssub.s32 s9, s30;
	s8 =	sadd.s32 s10, s8  }
0xa: {  	s5 =	sadd.s32 s7, s5;
	s7 =	simm.s32 $0x1;
	s9 =	simm.s32 $0x80  }
0xb: {  	s10 =	simm.s32 $0x0;
	s4 =	smax.u32 s4, $0x1;
	s31 =	sshrl.u32 s8, $0x3  }
0xc: {  	s5 =	sadd.s32 $0x52E00, s5;
	s8 =	simm.s32 $0x50;
	s6 =	sadd.s32 s31, s6  }
.LBB2_1:
0xd: {  	s11 =	sadd.s32 $0x0, s6  }
0xe: {  	[tilespmem:s3], [sflag:$0x1] =	stream.linear.gather [hbm4b:s11+s3], $0x50, $0x38;
	[tilespmem:$0x2880] =	vst v63  }
0xf: {  	_ =	swait.ge [sflag:s7], $0x50  }
0x10: {  	[sflag:s7] =	ssyncset.done $0x0  }
0x11: {  	[sflag:s7] =	ssyncadd.s32 $0xFFFFFFB0  }
0x12: {  	[tilespmem:s9], [sflag:$0x1] =	stream.indirect.gather [hbm4b:s2+s8], $0x80, s3, s8, $0xb8;
	[tilespmem:$0x2880] =	vst v63  }
0x13: {  	_ =	swait.ge [sflag:s7], $0x2800  }
0x14: {  	[sflag:s7] =	ssyncset.done $0x0  }
0x15: {  	[sflag:s7] =	ssyncadd.s32 $0xFFFFD800  }
0x16: {  	[hbm4b:s5+s3] =	stream.linear.scatter [tilespmem:s9], [sflag:$0x1], $0x2800, $0x38;
	[tilespmem:$0x2880] =	vst v63  }
0x17: {  	s12 =	simm.s32 $0xA;
	_ =	swait.ge [sflag:s7], $0x2800  }
0x18: {  	s13 =	simm.s32 $0x14;
	s11 =	sadd.s32 $0x500, s5;
	[sflag:s7] =	ssyncset.done $0x0  }
.LBB2_2:
0x19: {  	s14 =	sadd.s32 s12, s6  }
0x1a: {  	[sflag:s7] =	ssyncadd.s32 $0xFFFFD800;
	s12 =	smov.u32 s13;
	s15 =	sadd.s32 $0xA, s13  }
0x1b: {  	[tilespmem:s3], [sflag:$0x1] =	stream.linear.gather [hbm4b:s14+s3], $0x50, $0x38;
	[tilespmem:$0x2880] =	vst v63  }
0x1c: {  	p0 =	sne.s32 s13, $0x4D8;
	_ =	swait.ge [sflag:s7], $0x50  }
0x1d: {  	[sflag:s7] =	ssyncset.done $0x0  }
0x1e: {  	[sflag:s7] =	ssyncadd.s32 $0xFFFFFFB0  }
0x1f: {  	[tilespmem:s9], [sflag:$0x1] =	stream.indirect.gather [hbm4b:s2+s8], $0x80, s3, s8, $0xb8;
	[tilespmem:$0x2880] =	vst v63  }
0x20: {  	_ =	swait.ge [sflag:s7], $0x2800  }
.Ltmp0:
0x21: {  	[sflag:s7] =	ssyncset.done $0x0;
	(pc) =	sbr.rel @p0 .LBB2_2-.Ltmp0, $4  }
0x22: {  	[sflag:s7] =	ssyncadd.s32 $0xFFFFD800  }
0x23: {  	[hbm4b:s11+s3] =	stream.linear.scatter [tilespmem:s9], [sflag:$0x1], $0x2800, $0x38;
	[tilespmem:$0x2880] =	vst v63  }
0x24: {  	_ =	swait.ge [sflag:s7], $0x2800  }
0x25: {  	s13 =	smov.u32 s15;
	s11 =	sadd.s32 $0x500, s11;
	[sflag:s7] =	ssyncset.done $0x0  }
0x26: {  	s12 =	sadd.s32 s12, s6;
	[sflag:s7] =	ssyncadd.s32 $0xFFFFD800  }
0x27: {  	[tilespmem:s3], [sflag:$0x1] =	stream.linear.gather [hbm4b:s12+s3], $0x50, $0x38;
	[tilespmem:$0x2880] =	vst v63  }
0x28: {  	_ =	swait.ge [sflag:s7], $0x50  }
0x29: {  	[sflag:s7] =	ssyncset.done $0x0  }
0x2a: {  	[sflag:s7] =	ssyncadd.s32 $0xFFFFFFB0  }
0x2b: {  	[tilespmem:s9], [sflag:$0x1] =	stream.indirect.gather [hbm4b:s2+s8], $0x80, s3, s8, $0xb8;
	[tilespmem:$0x2880] =	vst v63  }
0x2c: {  	s10 =	sadd.s32 $0x1, s10;
	_ =	swait.ge [sflag:s7], $0x2800  }
0x2d: {  	p0 =	sne.s32 s10, s4;
	[sflag:s7] =	ssyncset.done $0x0  }
.Ltmp1:
0x2e: {  	[sflag:s7] =	ssyncadd.s32 $0xFFFFD800;
	(pc) =	sbr.rel @p0 .LBB2_1-.Ltmp1, $4  }
0x2f: {  	[hbm4b:s11+s3] =	stream.linear.scatter [tilespmem:s9], [sflag:$0x1], $0x2800, $0x38;
	[tilespmem:$0x2880] =	vst v63  }
0x30: {  	_ =	swait.ge [sflag:s7], $0x2800  }
0x31: {  	[sflag:s7] =	ssyncset.done $0x0  }
0x32: {  	[sflag:s7] =	ssyncadd.s32 $0xFFFFD800  }
0x33: {  	_ =	sfence.sel $0x180000  }
0x34: {  	[bflag:$0x0] =	sbarrier.arrive $0xFFFF  }
0x35: {  	p0 =	sne.s32 s1, $0x0;
	_ =	strace $0x90000047  }
0x36: {  	s0 =	sadd.s32 @!p0 $0x100000, s0;
	[bflag:$0x2] =	sbarrier.arrive $0xFFFF  }
0x37: {  	[sflag:s0] =	ssyncadd.tile.s32 @!p0 $0x1;
	_ =	shalt  }
.Lfunc_end2:
_tile_overlayer_lowered:
.L_overlay_start_2:
0x38: {  	(tag) =	ssettag $0x2  }
0x39: {  	s0 =	rddreg [dreg:$0x0];
	s2 =	stileid.u32  }
0x3a: {  	s1 =	rddreg [dreg:$0x1];
	p0 =	sne.s32 s2, $0x0  }
0x3b: {  	s3 =	rddreg [dreg:$0x2];
	[bflag:$0x3] =	sbarrier.arrive $0xFFFF;
	s2 =	simm.s32 @!p0 $0x1C01  }
0x3c: {  	[timem:s3], [sflag:s2] =	dma.local @!p0 [hbm:s0], s1  }
0x3d: {  	s0 =	simm.s32 @!p0 $0x1  }
0x3e: {  	_ =	swait.ge @!p0 [sflag:s0], s1  }
0x3f: {  	s1 =	ssub.s32 @!p0 $0x0, s1;
	[sflag:s0] =	ssyncset.done @!p0 $0x0  }
0x40: {  	[sflag:s0] =	ssyncadd.s32 @!p0 s1  }
0x41: {  	[bflag:$0x3] =	sbarrier.arrive $0xFFFF  }
0x42: {  	_ =	shalt  }

</sc_bundles>
